<compile_context>
chip_gen: v7x
topology: tpu7x:2x2x1
jax: 0.10.2.dev20260603
libtpu: 0.0.44.dev20260713+nightly
codegen_flags: <defaults>
</compile_context>

<pallas_src>
import jax
import jax.numpy as jnp
from jax import lax
from jax.experimental import pallas as pl
from jax.experimental.pallas import tpu as pltpu
from jax.experimental.pallas import tpu_sc as plsc

RANK = 32
BATCH = 64
CHUNK = 16
BLK = 1024


def _sc_gather_body(lhs_w, rel_w, ix_l, ix_r, ix_o,
                    lhs_o, rel_o, rhs_o, idx_v, rows_v, sem):
    nc = plsc.get_sparse_core_info().num_cores
    wid = lax.axis_index("s") * nc + lax.axis_index("c")
    table = wid // 4
    base = (wid % 4) * CHUNK

    @pl.when(table == 0)
    def _():
        pltpu.sync_copy(ix_l.at[pl.ds(base, CHUNK)], idx_v)
        pltpu.async_copy(lhs_w.at[idx_v], rows_v, sem).wait()
        pltpu.sync_copy(rows_v, lhs_o.at[pl.ds(base, CHUNK)])

    @pl.when(table == 1)
    def _():
        pltpu.sync_copy(ix_r.at[pl.ds(base, CHUNK)], idx_v)
        pltpu.async_copy(rel_w.at[idx_v], rows_v, sem).wait()
        pltpu.sync_copy(rows_v, rel_o.at[pl.ds(base, CHUNK)])

    @pl.when(table == 2)
    def _():
        pltpu.sync_copy(ix_o.at[pl.ds(base, CHUNK)], idx_v)
        pltpu.async_copy(lhs_w.at[idx_v], rows_v, sem).wait()
        pltpu.sync_copy(rows_v, rhs_o.at[pl.ds(base, CHUNK)])


def _sc_gather(lhs_weight, rel_weight, ix_l, ix_r, ix_o):
    emb = jax.ShapeDtypeStruct((BATCH, RANK), jnp.float32)
    run = pl.kernel(
        _sc_gather_body,
        out_type=(emb, emb, emb),
        mesh=plsc.VectorSubcoreMesh(core_axis_name="c", subcore_axis_name="s"),
        scratch_types=[
            pltpu.VMEM((CHUNK,), jnp.int32),
            pltpu.VMEM((CHUNK, RANK), jnp.float32),
            pltpu.SemaphoreType.DMA,
        ],
        compiler_params=pltpu.CompilerParams(use_tc_tiling_on_sc=False),
    )
    return run(lhs_weight, rel_weight, ix_l, ix_r, ix_o)


def _score_body(tab_t_ref, lhs_ref, rel_ref, rhs_ref, sp_ref, po_ref):
    q1 = (lhs_ref[...] + rel_ref[...]).astype(jnp.bfloat16)
    q2 = (rhs_ref[...] - rel_ref[...]).astype(jnp.bfloat16)
    t = tab_t_ref[...]
    acc1 = jnp.zeros(sp_ref.shape, jnp.float32)
    acc2 = jnp.zeros(po_ref.shape, jnp.float32)
    for g in range(RANK // 8):
        p1 = jnp.zeros(sp_ref.shape, jnp.bfloat16)
        p2 = jnp.zeros(po_ref.shape, jnp.bfloat16)
        for r in range(g * 8, g * 8 + 8):
            tr = t[r:r + 1, :]
            p1 = p1 - jnp.abs(q1[:, r:r + 1] - tr)
            p2 = p2 - jnp.abs(q2[:, r:r + 1] - tr)
        acc1 = acc1 + p1.astype(jnp.float32)
        acc2 = acc2 + p2.astype(jnp.float32)
    sp_ref[...] = acc1
    po_ref[...] = acc2


def _tc_score(tab_t, lhs, rel, rhs):
    n_ent = tab_t.shape[1]
    grid = (pl.cdiv(n_ent, BLK),)
    out = jax.ShapeDtypeStruct((BATCH, n_ent), jnp.float32)
    scores = pl.pallas_call(
        _score_body,
        grid=grid,
        in_specs=[
            pl.BlockSpec((RANK, BLK), lambda i: (0, i)),
            pl.BlockSpec((BATCH, RANK), lambda i: (0, 0)),
            pl.BlockSpec((BATCH, RANK), lambda i: (0, 0)),
            pl.BlockSpec((BATCH, RANK), lambda i: (0, 0)),
        ],
        out_specs=[
            pl.BlockSpec((BATCH, BLK), lambda i: (0, i)),
            pl.BlockSpec((BATCH, BLK), lambda i: (0, i)),
        ],
        out_shape=[out, out],
    )(tab_t, lhs, rel, rhs)
    return scores


@jax.jit
def kernel(x, lhs_weight, rel_weight):
    ix_l = x[:, 0]
    ix_r = x[:, 1]
    ix_o = x[:, 2]
    lhs, rel, rhs = _sc_gather(lhs_weight, rel_weight, ix_l, ix_r, ix_o)
    tab_t = lhs_weight.astype(jnp.bfloat16).T
    scores_sp, scores_po = _tc_score(tab_t, lhs, rel, rhs)
    return (scores_sp, scores_po, (lhs, rel, rhs))

# --- scband reference (transcript-rebuilt; emitter-appended) ---
"""Pipeline reference for scband-trans-e-69312182222861 (READ-ONLY COPY).

The authoritative reference and input builder live on the scoring server;
editing this copy changes nothing except your own understanding.
"""

import jax, jax.numpy as jnp
import numpy as np

N_ENT = 100000
N_REL = 1000
RANK = 32
BATCH = 64
INIT_SIZE = 0.001


def setup_inputs(seed: int = 0) -> dict:
    key = jax.random.key(seed)
    k1, k2, k3 = jax.random.split(key, 3)
    x = jax.random.randint(k1, (BATCH, 3), 0, 1000, dtype=jnp.int32)
    lhs_weight = (INIT_SIZE * jax.random.normal(k2, (N_ENT, RANK))).astype(jnp.float32)
    rel_weight = (INIT_SIZE * jax.random.normal(k3, (N_REL, RANK))).astype(jnp.float32)
    return {"x": x, "lhs_weight": lhs_weight, "rel_weight": rel_weight}


def reference(x, lhs_weight, rel_weight):
    # embedding gathers (SparseCore-friendly: jnp.take / table[idx])
    lhs = jnp.take(lhs_weight, x[:, 0], axis=0)
    rel = jnp.take(rel_weight, x[:, 1], axis=0)
    rhs = jnp.take(lhs_weight, x[:, 2], axis=0)
    # norm_ == 'l1' -> torch.norm(..., 1, dim=2) == sum(abs(.), axis=2)
    scores_sp = jnp.sum(jnp.abs((lhs + rel)[:, None, :] - lhs_weight[None, :, :]), axis=2)
    scores_po = jnp.sum(jnp.abs(lhs_weight[None, :, :] + rel[:, None, :] - rhs[:, None, :]), axis=2)
    return (-scores_sp, -scores_po, (lhs, rel, rhs))

if __name__ == "__main__":
    import jax
    _d = setup_inputs()
    print(jax.jit(kernel)(*tuple(_d.values())))

</pallas_src>

<mosaic_0001>
#map = affine_map<(d0, d1) -> (0, 0)>
#map1 = affine_map<(d0, d1) -> (0)>
module attributes {stable_mosaic.version = 14 : i64} {
  func.func @_sc_gather_body(%arg0: i32, %arg1: i32, %arg2: memref<100000x32xf32, #tpu.memory_space<hbm>>, %arg3: memref<1000x32xf32, #tpu.memory_space<hbm>>, %arg4: memref<64xi32, #tpu.memory_space<hbm>>, %arg5: memref<64xi32, #tpu.memory_space<hbm>>, %arg6: memref<64xi32, #tpu.memory_space<hbm>>, %arg7: memref<64x32xf32, #tpu.memory_space<hbm>>, %arg8: memref<64x32xf32, #tpu.memory_space<hbm>>, %arg9: memref<64x32xf32, #tpu.memory_space<hbm>>, %arg10: memref<16xi32, #tpu.memory_space<vmem>>, %arg11: memref<16x32xf32, #tpu.memory_space<vmem>>, %arg12: memref<!tpu.dma_semaphore, #tpu.memory_space<semaphore_mem>>) attributes {dimension_semantics = [#tpu.dimension_semantics<core_parallel>, #tpu.dimension_semantics<subcore_parallel>], iteration_bounds = array<i64: 2, 16>, scalar_prefetch = 0 : i64, scratch_operands = 3 : i64, tpu.core_type = #tpu.core_type<sc_vector_subcore>, window_params = [{transform_indices = #map}, {transform_indices = #map}, {transform_indices = #map1}, {transform_indices = #map1}, {transform_indices = #map1}, {transform_indices = #map}, {transform_indices = #map}, {transform_indices = #map}]} {
    %mul3A = arith.constant 2 : i32
    %mul3A_0 = arith.muli %arg1, %mul3A : i32
    %add3A = arith.addi %mul3A_0, %arg0 : i32
    %jit3A = arith.constant 4 : i32
    %div3A = arith.divsi %add3A, %jit3A : i32
    %sign3A = arith.constant 0 : i32
    %sign3A_1 = arith.cmpi sgt, %add3A, %sign3A : i32
    %sign3A_2 = arith.extui %sign3A_1 : i1 to i32
    %sign3A_3 = arith.constant 0 : i32
    %sign3A_4 = arith.cmpi slt, %add3A, %sign3A_3 : i32
    %sign3A_5 = arith.extui %sign3A_4 : i1 to i32
    %sign3A_6 = arith.subi %sign3A_2, %sign3A_5 : i32
    %sign3A_7 = arith.constant 0 : i32
    %sign3A_8 = arith.cmpi sgt, %jit3A, %sign3A_7 : i32
    %sign3A_9 = arith.extui %sign3A_8 : i1 to i32
    %sign3A_10 = arith.constant 0 : i32
    %sign3A_11 = arith.cmpi slt, %jit3A, %sign3A_10 : i32
    %sign3A_12 = arith.extui %sign3A_11 : i1 to i32
    %sign3A_13 = arith.subi %sign3A_9, %sign3A_12 : i32
    %ne3A = arith.cmpi ne, %sign3A_6, %sign3A_13 : i32
    %rem3A = arith.remsi %add3A, %jit3A : i32
    %ne3A_14 = arith.constant 0 : i32
    %ne3A_15 = arith.cmpi ne, %rem3A, %ne3A_14 : i32
    %and3A = arith.andi %ne3A, %ne3A_15 : i1
    %sub3A = arith.constant 1 : i32
    %sub3A_16 = arith.subi %div3A, %sub3A : i32
    %select_n3A = arith.select %and3A, %sub3A_16, %div3A : i32
    %jit3A_17 = arith.constant 4 : i32
    %eq3A = arith.constant 0 : i32
    %eq3A_18 = arith.cmpi eq, %jit3A_17, %eq3A : i32
    %jit3A_19 = arith.constant 1 : i32
    %select_n3A_20 = arith.select %eq3A_18, %jit3A_19, %jit3A_17 : i32
    %rem3A_21 = arith.remsi %add3A, %select_n3A_20 : i32
    %ne3A_22 = arith.constant 0 : i32
    %ne3A_23 = arith.cmpi ne, %rem3A_21, %ne3A_22 : i32
    %lt3A = arith.constant 0 : i32
    %lt3A_24 = arith.cmpi slt, %rem3A_21, %lt3A : i32
    %lt3A_25 = arith.constant 0 : i32
    %lt3A_26 = arith.cmpi slt, %select_n3A_20, %lt3A_25 : i32
    %ne3A_27 = arith.xori %lt3A_24, %lt3A_26 : i1
    %and3A_28 = arith.andi %ne3A_27, %ne3A_23 : i1
    %add3A_29 = arith.addi %rem3A_21, %select_n3A_20 : i32
    %select_n3A_30 = arith.select %and3A_28, %add3A_29, %rem3A_21 : i32
    %mul3A_31 = arith.constant 16 : i32
    %mul3A_32 = arith.muli %select_n3A_30, %mul3A_31 : i32
    %eq3A_33 = arith.constant 0 : i32
    %eq3A_34 = arith.cmpi eq, %select_n3A, %eq3A_33 : i32
    %convert_element_type3A = arith.extui %eq3A_34 : i1 to i32
    %cond3A = arith.constant 0 : i32
    %cond3A_35 = arith.cmpi ne, %convert_element_type3A, %cond3A : i32
    scf.if %cond3A_35 {
      "tpu.region"() ({
        %run_scoped3A = tpu.sem_alloc : memref<!tpu.dma_semaphore, #tpu.memory_space<semaphore_mem>>
        %dma_start3A_50 = tpu.memref_slice %arg4[%mul3A_32] : memref<64xi32, #tpu.memory_space<hbm>> -> memref<16xi32, #tpu.memory_space<hbm>>
        %dma_start3A_51 = tpu.memref_slice %arg4[%mul3A_32] : memref<64xi32, #tpu.memory_space<hbm>> -> memref<16xi32, #tpu.memory_space<hbm>>
        tpu.enqueue_dma source(%dma_start3A_51 : memref<16xi32, #tpu.memory_space<hbm>>) target(%arg10 : memref<16xi32, #tpu.memory_space<vmem>>) target_semaphore(%run_scoped3A : memref<!tpu.dma_semaphore, #tpu.memory_space<semaphore_mem>>)
        %dma_wait3A_52 = tpu.memref_slice %arg4[%mul3A_32] : memref<64xi32, #tpu.memory_space<hbm>> -> memref<16xi32, #tpu.memory_space<hbm>>
        %dma_wait3A_53 = tpu.memref_slice %arg4[%mul3A_32] : memref<64xi32, #tpu.memory_space<hbm>> -> memref<16xi32, #tpu.memory_space<hbm>>
        tpu.wait_dma2 semaphore(%run_scoped3A : memref<!tpu.dma_semaphore, #tpu.memory_space<semaphore_mem>>) src(%dma_wait3A_53 : memref<16xi32, #tpu.memory_space<hbm>>) dst(%arg10 : memref<16xi32, #tpu.memory_space<vmem>>)
        tpu.yield
      }) : () -> ()
      %dma_start3A = arith.constant 0 : i32
      %dma_start3A_46 = arith.constant 0 : i32
      %dma_start3A_47 = tpu.memref_slice %arg2[%dma_start3A, %dma_start3A_46] : memref<100000x32xf32, #tpu.memory_space<hbm>> -> memref<100000x32xf32, #tpu.memory_space<hbm>>
      tpu.enqueue_indirect_dma source(%dma_start3A_47 : memref<100000x32xf32, #tpu.memory_space<hbm>>) target(%arg11 : memref<16x32xf32, #tpu.memory_space<vmem>>) offsets(%arg10 : memref<16xi32, #tpu.memory_space<vmem>>) semaphore(%arg12 : memref<!tpu.dma_semaphore, #tpu.memory_space<semaphore_mem>>)
      %dma_wait3A = arith.constant 0 : i32
      %dma_wait3A_48 = arith.constant 0 : i32
      %dma_wait3A_49 = tpu.memref_slice %arg2[%dma_wait3A, %dma_wait3A_48] : memref<100000x32xf32, #tpu.memory_space<hbm>> -> memref<100000x32xf32, #tpu.memory_space<hbm>>
      tpu.wait_indirect_dma semaphore(%arg12 : memref<!tpu.dma_semaphore, #tpu.memory_space<semaphore_mem>>) src(%dma_wait3A_49 : memref<100000x32xf32, #tpu.memory_space<hbm>>) dst(%arg11 : memref<16x32xf32, #tpu.memory_space<vmem>>)
      "tpu.region"() ({
        %run_scoped3A = tpu.sem_alloc : memref<!tpu.dma_semaphore, #tpu.memory_space<semaphore_mem>>
        %dma_start3A_50 = arith.constant 0 : i32
        %dma_start3A_51 = tpu.memref_slice %arg7[%mul3A_32, %dma_start3A_50] : memref<64x32xf32, #tpu.memory_space<hbm>> -> memref<16x32xf32, #tpu.memory_space<hbm>>
        %dma_start3A_52 = arith.constant 0 : i32
        %dma_start3A_53 = tpu.memref_slice %arg7[%mul3A_32, %dma_start3A_52] : memref<64x32xf32, #tpu.memory_space<hbm>> -> memref<16x32xf32, #tpu.memory_space<hbm>>
        tpu.enqueue_dma source(%arg11 : memref<16x32xf32, #tpu.memory_space<vmem>>) target(%dma_start3A_53 : memref<16x32xf32, #tpu.memory_space<hbm>>) target_semaphore(%run_scoped3A : memref<!tpu.dma_semaphore, #tpu.memory_space<semaphore_mem>>)
        %dma_wait3A_54 = arith.constant 0 : i32
        %dma_wait3A_55 = tpu.memref_slice %arg7[%mul3A_32, %dma_wait3A_54] : memref<64x32xf32, #tpu.memory_space<hbm>> -> memref<16x32xf32, #tpu.memory_space<hbm>>
        %dma_wait3A_56 = arith.constant 0 : i32
        %dma_wait3A_57 = tpu.memref_slice %arg7[%mul3A_32, %dma_wait3A_56] : memref<64x32xf32, #tpu.memory_space<hbm>> -> memref<16x32xf32, #tpu.memory_space<hbm>>
        tpu.wait_dma2 semaphore(%run_scoped3A : memref<!tpu.dma_semaphore, #tpu.memory_space<semaphore_mem>>) src(%arg11 : memref<16x32xf32, #tpu.memory_space<vmem>>) dst(%dma_wait3A_57 : memref<16x32xf32, #tpu.memory_space<hbm>>)
        tpu.yield
      }) : () -> ()
    } else {
    }
    %eq3A_36 = arith.constant 1 : i32
    %eq3A_37 = arith.cmpi eq, %select_n3A, %eq3A_36 : i32
    %convert_element_type3A_38 = arith.extui %eq3A_37 : i1 to i32
    %cond3A_39 = arith.constant 0 : i32
    %cond3A_40 = arith.cmpi ne, %convert_element_type3A_38, %cond3A_39 : i32
    scf.if %cond3A_40 {
      "tpu.region"() ({
        %run_scoped3A = tpu.sem_alloc : memref<!tpu.dma_semaphore, #tpu.memory_space<semaphore_mem>>
        %dma_start3A_50 = tpu.memref_slice %arg5[%mul3A_32] : memref<64xi32, #tpu.memory_space<hbm>> -> memref<16xi32, #tpu.memory_space<hbm>>
        %dma_start3A_51 = tpu.memref_slice %arg5[%mul3A_32] : memref<64xi32, #tpu.memory_space<hbm>> -> memref<16xi32, #tpu.memory_space<hbm>>
        tpu.enqueue_dma source(%dma_start3A_51 : memref<16xi32, #tpu.memory_space<hbm>>) target(%arg10 : memref<16xi32, #tpu.memory_space<vmem>>) target_semaphore(%run_scoped3A : memref<!tpu.dma_semaphore, #tpu.memory_space<semaphore_mem>>)
        %dma_wait3A_52 = tpu.memref_slice %arg5[%mul3A_32] : memref<64xi32, #tpu.memory_space<hbm>> -> memref<16xi32, #tpu.memory_space<hbm>>
        %dma_wait3A_53 = tpu.memref_slice %arg5[%mul3A_32] : memref<64xi32, #tpu.memory_space<hbm>> -> memref<16xi32, #tpu.memory_space<hbm>>
        tpu.wait_dma2 semaphore(%run_scoped3A : memref<!tpu.dma_semaphore, #tpu.memory_space<semaphore_mem>>) src(%dma_wait3A_53 : memref<16xi32, #tpu.memory_space<hbm>>) dst(%arg10 : memref<16xi32, #tpu.memory_space<vmem>>)
        tpu.yield
      }) : () -> ()
      %dma_start3A = arith.constant 0 : i32
      %dma_start3A_46 = arith.constant 0 : i32
      %dma_start3A_47 = tpu.memref_slice %arg3[%dma_start3A, %dma_start3A_46] : memref<1000x32xf32, #tpu.memory_space<hbm>> -> memref<1000x32xf32, #tpu.memory_space<hbm>>
      tpu.enqueue_indirect_dma source(%dma_start3A_47 : memref<1000x32xf32, #tpu.memory_space<hbm>>) target(%arg11 : memref<16x32xf32, #tpu.memory_space<vmem>>) offsets(%arg10 : memref<16xi32, #tpu.memory_space<vmem>>) semaphore(%arg12 : memref<!tpu.dma_semaphore, #tpu.memory_space<semaphore_mem>>)
      %dma_wait3A = arith.constant 0 : i32
      %dma_wait3A_48 = arith.constant 0 : i32
      %dma_wait3A_49 = tpu.memref_slice %arg3[%dma_wait3A, %dma_wait3A_48] : memref<1000x32xf32, #tpu.memory_space<hbm>> -> memref<1000x32xf32, #tpu.memory_space<hbm>>
      tpu.wait_indirect_dma semaphore(%arg12 : memref<!tpu.dma_semaphore, #tpu.memory_space<semaphore_mem>>) src(%dma_wait3A_49 : memref<1000x32xf32, #tpu.memory_space<hbm>>) dst(%arg11 : memref<16x32xf32, #tpu.memory_space<vmem>>)
      "tpu.region"() ({
        %run_scoped3A = tpu.sem_alloc : memref<!tpu.dma_semaphore, #tpu.memory_space<semaphore_mem>>
        %dma_start3A_50 = arith.constant 0 : i32
        %dma_start3A_51 = tpu.memref_slice %arg8[%mul3A_32, %dma_start3A_50] : memref<64x32xf32, #tpu.memory_space<hbm>> -> memref<16x32xf32, #tpu.memory_space<hbm>>
        %dma_start3A_52 = arith.constant 0 : i32
        %dma_start3A_53 = tpu.memref_slice %arg8[%mul3A_32, %dma_start3A_52] : memref<64x32xf32, #tpu.memory_space<hbm>> -> memref<16x32xf32, #tpu.memory_space<hbm>>
        tpu.enqueue_dma source(%arg11 : memref<16x32xf32, #tpu.memory_space<vmem>>) target(%dma_start3A_53 : memref<16x32xf32, #tpu.memory_space<hbm>>) target_semaphore(%run_scoped3A : memref<!tpu.dma_semaphore, #tpu.memory_space<semaphore_mem>>)
        %dma_wait3A_54 = arith.constant 0 : i32
        %dma_wait3A_55 = tpu.memref_slice %arg8[%mul3A_32, %dma_wait3A_54] : memref<64x32xf32, #tpu.memory_space<hbm>> -> memref<16x32xf32, #tpu.memory_space<hbm>>
        %dma_wait3A_56 = arith.constant 0 : i32
        %dma_wait3A_57 = tpu.memref_slice %arg8[%mul3A_32, %dma_wait3A_56] : memref<64x32xf32, #tpu.memory_space<hbm>> -> memref<16x32xf32, #tpu.memory_space<hbm>>
        tpu.wait_dma2 semaphore(%run_scoped3A : memref<!tpu.dma_semaphore, #tpu.memory_space<semaphore_mem>>) src(%arg11 : memref<16x32xf32, #tpu.memory_space<vmem>>) dst(%dma_wait3A_57 : memref<16x32xf32, #tpu.memory_space<hbm>>)
        tpu.yield
      }) : () -> ()
    } else {
    }
    %eq3A_41 = arith.constant 2 : i32
    %eq3A_42 = arith.cmpi eq, %select_n3A, %eq3A_41 : i32
    %convert_element_type3A_43 = arith.extui %eq3A_42 : i1 to i32
    %cond3A_44 = arith.constant 0 : i32
    %cond3A_45 = arith.cmpi ne, %convert_element_type3A_43, %cond3A_44 : i32
    scf.if %cond3A_45 {
      "tpu.region"() ({
        %run_scoped3A = tpu.sem_alloc : memref<!tpu.dma_semaphore, #tpu.memory_space<semaphore_mem>>
        %dma_start3A_50 = tpu.memref_slice %arg6[%mul3A_32] : memref<64xi32, #tpu.memory_space<hbm>> -> memref<16xi32, #tpu.memory_space<hbm>>
        %dma_start3A_51 = tpu.memref_slice %arg6[%mul3A_32] : memref<64xi32, #tpu.memory_space<hbm>> -> memref<16xi32, #tpu.memory_space<hbm>>
        tpu.enqueue_dma source(%dma_start3A_51 : memref<16xi32, #tpu.memory_space<hbm>>) target(%arg10 : memref<16xi32, #tpu.memory_space<vmem>>) target_semaphore(%run_scoped3A : memref<!tpu.dma_semaphore, #tpu.memory_space<semaphore_mem>>)
        %dma_wait3A_52 = tpu.memref_slice %arg6[%mul3A_32] : memref<64xi32, #tpu.memory_space<hbm>> -> memref<16xi32, #tpu.memory_space<hbm>>
        %dma_wait3A_53 = tpu.memref_slice %arg6[%mul3A_32] : memref<64xi32, #tpu.memory_space<hbm>> -> memref<16xi32, #tpu.memory_space<hbm>>
        tpu.wait_dma2 semaphore(%run_scoped3A : memref<!tpu.dma_semaphore, #tpu.memory_space<semaphore_mem>>) src(%dma_wait3A_53 : memref<16xi32, #tpu.memory_space<hbm>>) dst(%arg10 : memref<16xi32, #tpu.memory_space<vmem>>)
        tpu.yield
      }) : () -> ()
      %dma_start3A = arith.constant 0 : i32
      %dma_start3A_46 = arith.constant 0 : i32
      %dma_start3A_47 = tpu.memref_slice %arg2[%dma_start3A, %dma_start3A_46] : memref<100000x32xf32, #tpu.memory_space<hbm>> -> memref<100000x32xf32, #tpu.memory_space<hbm>>
      tpu.enqueue_indirect_dma source(%dma_start3A_47 : memref<100000x32xf32, #tpu.memory_space<hbm>>) target(%arg11 : memref<16x32xf32, #tpu.memory_space<vmem>>) offsets(%arg10 : memref<16xi32, #tpu.memory_space<vmem>>) semaphore(%arg12 : memref<!tpu.dma_semaphore, #tpu.memory_space<semaphore_mem>>)
      %dma_wait3A = arith.constant 0 : i32
      %dma_wait3A_48 = arith.constant 0 : i32
      %dma_wait3A_49 = tpu.memref_slice %arg2[%dma_wait3A, %dma_wait3A_48] : memref<100000x32xf32, #tpu.memory_space<hbm>> -> memref<100000x32xf32, #tpu.memory_space<hbm>>
      tpu.wait_indirect_dma semaphore(%arg12 : memref<!tpu.dma_semaphore, #tpu.memory_space<semaphore_mem>>) src(%dma_wait3A_49 : memref<100000x32xf32, #tpu.memory_space<hbm>>) dst(%arg11 : memref<16x32xf32, #tpu.memory_space<vmem>>)
      "tpu.region"() ({
        %run_scoped3A = tpu.sem_alloc : memref<!tpu.dma_semaphore, #tpu.memory_space<semaphore_mem>>
        %dma_start3A_50 = arith.constant 0 : i32
        %dma_start3A_51 = tpu.memref_slice %arg9[%mul3A_32, %dma_start3A_50] : memref<64x32xf32, #tpu.memory_space<hbm>> -> memref<16x32xf32, #tpu.memory_space<hbm>>
        %dma_start3A_52 = arith.constant 0 : i32
        %dma_start3A_53 = tpu.memref_slice %arg9[%mul3A_32, %dma_start3A_52] : memref<64x32xf32, #tpu.memory_space<hbm>> -> memref<16x32xf32, #tpu.memory_space<hbm>>
        tpu.enqueue_dma source(%arg11 : memref<16x32xf32, #tpu.memory_space<vmem>>) target(%dma_start3A_53 : memref<16x32xf32, #tpu.memory_space<hbm>>) target_semaphore(%run_scoped3A : memref<!tpu.dma_semaphore, #tpu.memory_space<semaphore_mem>>)
        %dma_wait3A_54 = arith.constant 0 : i32
        %dma_wait3A_55 = tpu.memref_slice %arg9[%mul3A_32, %dma_wait3A_54] : memref<64x32xf32, #tpu.memory_space<hbm>> -> memref<16x32xf32, #tpu.memory_space<hbm>>
        %dma_wait3A_56 = arith.constant 0 : i32
        %dma_wait3A_57 = tpu.memref_slice %arg9[%mul3A_32, %dma_wait3A_56] : memref<64x32xf32, #tpu.memory_space<hbm>> -> memref<16x32xf32, #tpu.memory_space<hbm>>
        tpu.wait_dma2 semaphore(%run_scoped3A : memref<!tpu.dma_semaphore, #tpu.memory_space<semaphore_mem>>) src(%arg11 : memref<16x32xf32, #tpu.memory_space<vmem>>) dst(%dma_wait3A_57 : memref<16x32xf32, #tpu.memory_space<hbm>>)
        tpu.yield
      }) : () -> ()
    } else {
    }
    return
  }
}

module attributes {stable_mosaic.version = 14 : i64} {
  func.func @_score_body(%arg0: i32, %arg1: memref<32x1024xbf16, #tpu.memory_space<vmem>>, %arg2: memref<64x32xf32, #tpu.memory_space<vmem>>, %arg3: memref<64x32xf32, #tpu.memory_space<vmem>>, %arg4: memref<64x32xf32, #tpu.memory_space<vmem>>, %arg5: memref<64x1024xf32, #tpu.memory_space<vmem>>, %arg6: memref<64x1024xf32, #tpu.memory_space<vmem>>) attributes {dimension_semantics = [#tpu.dimension_semantics<arbitrary>], iteration_bounds = array<i64: 98>, scalar_prefetch = 0 : i64, scratch_operands = 0 : i64, tpu.core_type = #tpu.core_type<tc>, window_params = [{transform_indices = @transform_0, window_bounds = array<i64: 32, 1024>}, {pipeline_mode = #tpu.pipeline_mode<synchronous>, transform_indices = @transform_1, window_bounds = array<i64: 64, 32>}, {pipeline_mode = #tpu.pipeline_mode<synchronous>, transform_indices = @transform_2, window_bounds = array<i64: 64, 32>}, {pipeline_mode = #tpu.pipeline_mode<synchronous>, transform_indices = @transform_3, window_bounds = array<i64: 64, 32>}, {transform_indices = @transform_4, window_bounds = array<i64: 64, 1024>}, {transform_indices = @transform_5, window_bounds = array<i64: 64, 1024>}]} {
    %get3A = arith.constant 0 : index
    %get3A_0 = arith.constant 0 : index
    %get3A_1 = vector.load %arg2[%get3A, %get3A_0] : memref<64x32xf32, #tpu.memory_space<vmem>>, vector<64x32xf32>
    %get3A_2 = arith.constant 0 : index
    %get3A_3 = arith.constant 0 : index
    %get3A_4 = vector.load %arg3[%get3A_2, %get3A_3] : memref<64x32xf32, #tpu.memory_space<vmem>>, vector<64x32xf32>
    %add3A = arith.addf %get3A_1, %get3A_4 : vector<64x32xf32>
    %convert_element_type3A = arith.truncf %add3A : vector<64x32xf32> to vector<64x32xbf16>
    %get3A_5 = arith.constant 0 : index
    %get3A_6 = arith.constant 0 : index
    %get3A_7 = vector.load %arg4[%get3A_5, %get3A_6] : memref<64x32xf32, #tpu.memory_space<vmem>>, vector<64x32xf32>
    %get3A_8 = arith.constant 0 : index
    %get3A_9 = arith.constant 0 : index
    %get3A_10 = vector.load %arg3[%get3A_8, %get3A_9] : memref<64x32xf32, #tpu.memory_space<vmem>>, vector<64x32xf32>
    %sub3A = arith.subf %get3A_7, %get3A_10 : vector<64x32xf32>
    %convert_element_type3A_11 = arith.truncf %sub3A : vector<64x32xf32> to vector<64x32xbf16>
    %get3A_12 = arith.constant 0 : index
    %get3A_13 = arith.constant 0 : index
    %get3A_14 = vector.load %arg1[%get3A_12, %get3A_13] : memref<32x1024xbf16, #tpu.memory_space<vmem>>, vector<32x1024xbf16>
    %broadcast_in_dim3A = arith.constant 0.000000e+00 : f32
    %broadcast_in_dim3A_15 = vector.broadcast %broadcast_in_dim3A : f32 to vector<64x1024xf32>
    %broadcast_in_dim3A_16 = arith.constant 0.000000e+00 : f32
    %broadcast_in_dim3A_17 = vector.broadcast %broadcast_in_dim3A_16 : f32 to vector<64x1024xf32>
    %broadcast_in_dim3A_18 = arith.constant 0.000000e+00 : bf16
    %broadcast_in_dim3A_19 = vector.broadcast %broadcast_in_dim3A_18 : bf16 to vector<64x1024xbf16>
    %broadcast_in_dim3A_20 = arith.constant 0.000000e+00 : bf16
    %broadcast_in_dim3A_21 = vector.broadcast %broadcast_in_dim3A_20 : bf16 to vector<64x1024xbf16>
    %slice3A = vector.extract_strided_slice %get3A_14 {offsets = [0, 0], sizes = [1, 1024], strides = [1, 1]} : vector<32x1024xbf16> to vector<1x1024xbf16>
    %slice3A_22 = vector.extract_strided_slice %convert_element_type3A {offsets = [0, 0], sizes = [64, 1], strides = [1, 1]} : vector<64x32xbf16> to vector<64x1xbf16>
    %sub3A_23 = vector.broadcast %slice3A_22 : vector<64x1xbf16> to vector<64x1024xbf16>
    %sub3A_24 = vector.broadcast %slice3A : vector<1x1024xbf16> to vector<64x1024xbf16>
    %sub3A_25 = arith.subf %sub3A_23, %sub3A_24 : vector<64x1024xbf16>
    %abs3A = math.absf %sub3A_25 : vector<64x1024xbf16>
    %sub3A_26 = arith.subf %broadcast_in_dim3A_19, %abs3A : vector<64x1024xbf16>
    %slice3A_27 = vector.extract_strided_slice %convert_element_type3A_11 {offsets = [0, 0], sizes = [64, 1], strides = [1, 1]} : vector<64x32xbf16> to vector<64x1xbf16>
    %sub3A_28 = vector.broadcast %slice3A_27 : vector<64x1xbf16> to vector<64x1024xbf16>
    %sub3A_29 = vector.broadcast %slice3A : vector<1x1024xbf16> to vector<64x1024xbf16>
    %sub3A_30 = arith.subf %sub3A_28, %sub3A_29 : vector<64x1024xbf16>
    %abs3A_31 = math.absf %sub3A_30 : vector<64x1024xbf16>
    %sub3A_32 = arith.subf %broadcast_in_dim3A_21, %abs3A_31 : vector<64x1024xbf16>
    %slice3A_33 = vector.extract_strided_slice %get3A_14 {offsets = [1, 0], sizes = [1, 1024], strides = [1, 1]} : vector<32x1024xbf16> to vector<1x1024xbf16>
    %slice3A_34 = vector.extract_strided_slice %convert_element_type3A {offsets = [0, 1], sizes = [64, 1], strides = [1, 1]} : vector<64x32xbf16> to vector<64x1xbf16>
    %sub3A_35 = vector.broadcast %slice3A_34 : vector<64x1xbf16> to vector<64x1024xbf16>
    %sub3A_36 = vector.broadcast %slice3A_33 : vector<1x1024xbf16> to vector<64x1024xbf16>
    %sub3A_37 = arith.subf %sub3A_35, %sub3A_36 : vector<64x1024xbf16>
    %abs3A_38 = math.absf %sub3A_37 : vector<64x1024xbf16>
    %sub3A_39 = arith.subf %sub3A_26, %abs3A_38 : vector<64x1024xbf16>
    %slice3A_40 = vector.extract_strided_slice %convert_element_type3A_11 {offsets = [0, 1], sizes = [64, 1], strides = [1, 1]} : vector<64x32xbf16> to vector<64x1xbf16>
    %sub3A_41 = vector.broadcast %slice3A_40 : vector<64x1xbf16> to vector<64x1024xbf16>
    %sub3A_42 = vector.broadcast %slice3A_33 : vector<1x1024xbf16> to vector<64x1024xbf16>
    %sub3A_43 = arith.subf %sub3A_41, %sub3A_42 : vector<64x1024xbf16>
    %abs3A_44 = math.absf %sub3A_43 : vector<64x1024xbf16>
    %sub3A_45 = arith.subf %sub3A_32, %abs3A_44 : vector<64x1024xbf16>
    %slice3A_46 = vector.extract_strided_slice %get3A_14 {offsets = [2, 0], sizes = [1, 1024], strides = [1, 1]} : vector<32x1024xbf16> to vector<1x1024xbf16>
    %slice3A_47 = vector.extract_strided_slice %convert_element_type3A {offsets = [0, 2], sizes = [64, 1], strides = [1, 1]} : vector<64x32xbf16> to vector<64x1xbf16>
    %sub3A_48 = vector.broadcast %slice3A_47 : vector<64x1xbf16> to vector<64x1024xbf16>
    %sub3A_49 = vector.broadcast %slice3A_46 : vector<1x1024xbf16> to vector<64x1024xbf16>
    %sub3A_50 = arith.subf %sub3A_48, %sub3A_49 : vector<64x1024xbf16>
    %abs3A_51 = math.absf %sub3A_50 : vector<64x1024xbf16>
    %sub3A_52 = arith.subf %sub3A_39, %abs3A_51 : vector<64x1024xbf16>
    %slice3A_53 = vector.extract_strided_slice %convert_element_type3A_11 {offsets = [0, 2], sizes = [64, 1], strides = [1, 1]} : vector<64x32xbf16> to vector<64x1xbf16>
    %sub3A_54 = vector.broadcast %slice3A_53 : vector<64x1xbf16> to vector<64x1024xbf16>
    %sub3A_55 = vector.broadcast %slice3A_46 : vector<1x1024xbf16> to vector<64x1024xbf16>
    %sub3A_56 = arith.subf %sub3A_54, %sub3A_55 : vector<64x1024xbf16>
    %abs3A_57 = math.absf %sub3A_56 : vector<64x1024xbf16>
    %sub3A_58 = arith.subf %sub3A_45, %abs3A_57 : vector<64x1024xbf16>
    %slice3A_59 = vector.extract_strided_slice %get3A_14 {offsets = [3, 0], sizes = [1, 1024], strides = [1, 1]} : vector<32x1024xbf16> to vector<1x1024xbf16>
    %slice3A_60 = vector.extract_strided_slice %convert_element_type3A {offsets = [0, 3], sizes = [64, 1], strides = [1, 1]} : vector<64x32xbf16> to vector<64x1xbf16>
    %sub3A_61 = vector.broadcast %slice3A_60 : vector<64x1xbf16> to vector<64x1024xbf16>
    %sub3A_62 = vector.broadcast %slice3A_59 : vector<1x1024xbf16> to vector<64x1024xbf16>
    %sub3A_63 = arith.subf %sub3A_61, %sub3A_62 : vector<64x1024xbf16>
    %abs3A_64 = math.absf %sub3A_63 : vector<64x1024xbf16>
    %sub3A_65 = arith.subf %sub3A_52, %abs3A_64 : vector<64x1024xbf16>
    %slice3A_66 = vector.extract_strided_slice %convert_element_type3A_11 {offsets = [0, 3], sizes = [64, 1], strides = [1, 1]} : vector<64x32xbf16> to vector<64x1xbf16>
    %sub3A_67 = vector.broadcast %slice3A_66 : vector<64x1xbf16> to vector<64x1024xbf16>
    %sub3A_68 = vector.broadcast %slice3A_59 : vector<1x1024xbf16> to vector<64x1024xbf16>
    %sub3A_69 = arith.subf %sub3A_67, %sub3A_68 : vector<64x1024xbf16>
    %abs3A_70 = math.absf %sub3A_69 : vector<64x1024xbf16>
    %sub3A_71 = arith.subf %sub3A_58, %abs3A_70 : vector<64x1024xbf16>
    %slice3A_72 = vector.extract_strided_slice %get3A_14 {offsets = [4, 0], sizes = [1, 1024], strides = [1, 1]} : vector<32x1024xbf16> to vector<1x1024xbf16>
    %slice3A_73 = vector.extract_strided_slice %convert_element_type3A {offsets = [0, 4], sizes = [64, 1], strides = [1, 1]} : vector<64x32xbf16> to vector<64x1xbf16>
    %sub3A_74 = vector.broadcast %slice3A_73 : vector<64x1xbf16> to vector<64x1024xbf16>
    %sub3A_75 = vector.broadcast %slice3A_72 : vector<1x1024xbf16> to vector<64x1024xbf16>
    %sub3A_76 = arith.subf %sub3A_74, %sub3A_75 : vector<64x1024xbf16>
    %abs3A_77 = math.absf %sub3A_76 : vector<64x1024xbf16>
    %sub3A_78 = arith.subf %sub3A_65, %abs3A_77 : vector<64x1024xbf16>
    %slice3A_79 = vector.extract_strided_slice %convert_element_type3A_11 {offsets = [0, 4], sizes = [64, 1], strides = [1, 1]} : vector<64x32xbf16> to vector<64x1xbf16>
    %sub3A_80 = vector.broadcast %slice3A_79 : vector<64x1xbf16> to vector<64x1024xbf16>
    %sub3A_81 = vector.broadcast %slice3A_72 : vector<1x1024xbf16> to vector<64x1024xbf16>
    %sub3A_82 = arith.subf %sub3A_80, %sub3A_81 : vector<64x1024xbf16>
    %abs3A_83 = math.absf %sub3A_82 : vector<64x1024xbf16>
    %sub3A_84 = arith.subf %sub3A_71, %abs3A_83 : vector<64x1024xbf16>
    %slice3A_85 = vector.extract_strided_slice %get3A_14 {offsets = [5, 0], sizes = [1, 1024], strides = [1, 1]} : vector<32x1024xbf16> to vector<1x1024xbf16>
    %slice3A_86 = vector.extract_strided_slice %convert_element_type3A {offsets = [0, 5], sizes = [64, 1], strides = [1, 1]} : vector<64x32xbf16> to vector<64x1xbf16>
    %sub3A_87 = vector.broadcast %slice3A_86 : vector<64x1xbf16> to vector<64x1024xbf16>
    %sub3A_88 = vector.broadcast %slice3A_85 : vector<1x1024xbf16> to vector<64x1024xbf16>
    %sub3A_89 = arith.subf %sub3A_87, %sub3A_88 : vector<64x1024xbf16>
    %abs3A_90 = math.absf %sub3A_89 : vector<64x1024xbf16>
    %sub3A_91 = arith.subf %sub3A_78, %abs3A_90 : vector<64x1024xbf16>
    %slice3A_92 = vector.extract_strided_slice %convert_element_type3A_11 {offsets = [0, 5], sizes = [64, 1], strides = [1, 1]} : vector<64x32xbf16> to vector<64x1xbf16>
    %sub3A_93 = vector.broadcast %slice3A_92 : vector<64x1xbf16> to vector<64x1024xbf16>
    %sub3A_94 = vector.broadcast %slice3A_85 : vector<1x1024xbf16> to vector<64x1024xbf16>
    %sub3A_95 = arith.subf %sub3A_93, %sub3A_94 : vector<64x1024xbf16>
    %abs3A_96 = math.absf %sub3A_95 : vector<64x1024xbf16>
    %sub3A_97 = arith.subf %sub3A_84, %abs3A_96 : vector<64x1024xbf16>
    %slice3A_98 = vector.extract_strided_slice %get3A_14 {offsets = [6, 0], sizes = [1, 1024], strides = [1, 1]} : vector<32x1024xbf16> to vector<1x1024xbf16>
    %slice3A_99 = vector.extract_strided_slice %convert_element_type3A {offsets = [0, 6], sizes = [64, 1], strides = [1, 1]} : vector<64x32xbf16> to vector<64x1xbf16>
    %sub3A_100 = vector.broadcast %slice3A_99 : vector<64x1xbf16> to vector<64x1024xbf16>
    %sub3A_101 = vector.broadcast %slice3A_98 : vector<1x1024xbf16> to vector<64x1024xbf16>
    %sub3A_102 = arith.subf %sub3A_100, %sub3A_101 : vector<64x1024xbf16>
    %abs3A_103 = math.absf %sub3A_102 : vector<64x1024xbf16>
    %sub3A_104 = arith.subf %sub3A_91, %abs3A_103 : vector<64x1024xbf16>
    %slice3A_105 = vector.extract_strided_slice %convert_element_type3A_11 {offsets = [0, 6], sizes = [64, 1], strides = [1, 1]} : vector<64x32xbf16> to vector<64x1xbf16>
    %sub3A_106 = vector.broadcast %slice3A_105 : vector<64x1xbf16> to vector<64x1024xbf16>
    %sub3A_107 = vector.broadcast %slice3A_98 : vector<1x1024xbf16> to vector<64x1024xbf16>
    %sub3A_108 = arith.subf %sub3A_106, %sub3A_107 : vector<64x1024xbf16>
    %abs3A_109 = math.absf %sub3A_108 : vector<64x1024xbf16>
    %sub3A_110 = arith.subf %sub3A_97, %abs3A_109 : vector<64x1024xbf16>
    %slice3A_111 = vector.extract_strided_slice %get3A_14 {offsets = [7, 0], sizes = [1, 1024], strides = [1, 1]} : vector<32x1024xbf16> to vector<1x1024xbf16>
    %slice3A_112 = vector.extract_strided_slice %convert_element_type3A {offsets = [0, 7], sizes = [64, 1], strides = [1, 1]} : vector<64x32xbf16> to vector<64x1xbf16>
    %sub3A_113 = vector.broadcast %slice3A_112 : vector<64x1xbf16> to vector<64x1024xbf16>
    %sub3A_114 = vector.broadcast %slice3A_111 : vector<1x1024xbf16> to vector<64x1024xbf16>
    %sub3A_115 = arith.subf %sub3A_113, %sub3A_114 : vector<64x1024xbf16>
    %abs3A_116 = math.absf %sub3A_115 : vector<64x1024xbf16>
    %sub3A_117 = arith.subf %sub3A_104, %abs3A_116 : vector<64x1024xbf16>
    %slice3A_118 = vector.extract_strided_slice %convert_element_type3A_11 {offsets = [0, 7], sizes = [64, 1], strides = [1, 1]} : vector<64x32xbf16> to vector<64x1xbf16>
    %sub3A_119 = vector.broadcast %slice3A_118 : vector<64x1xbf16> to vector<64x1024xbf16>
    %sub3A_120 = vector.broadcast %slice3A_111 : vector<1x1024xbf16> to vector<64x1024xbf16>
    %sub3A_121 = arith.subf %sub3A_119, %sub3A_120 : vector<64x1024xbf16>
    %abs3A_122 = math.absf %sub3A_121 : vector<64x1024xbf16>
    %sub3A_123 = arith.subf %sub3A_110, %abs3A_122 : vector<64x1024xbf16>
    %convert_element_type3A_124 = arith.extf %sub3A_117 : vector<64x1024xbf16> to vector<64x1024xf32>
    %add3A_125 = arith.addf %broadcast_in_dim3A_15, %convert_element_type3A_124 : vector<64x1024xf32>
    %convert_element_type3A_126 = arith.extf %sub3A_123 : vector<64x1024xbf16> to vector<64x1024xf32>
    %add3A_127 = arith.addf %broadcast_in_dim3A_17, %convert_element_type3A_126 : vector<64x1024xf32>
    %broadcast_in_dim3A_128 = arith.constant 0.000000e+00 : bf16
    %broadcast_in_dim3A_129 = vector.broadcast %broadcast_in_dim3A_128 : bf16 to vector<64x1024xbf16>
    %broadcast_in_dim3A_130 = arith.constant 0.000000e+00 : bf16
    %broadcast_in_dim3A_131 = vector.broadcast %broadcast_in_dim3A_130 : bf16 to vector<64x1024xbf16>
    %slice3A_132 = vector.extract_strided_slice %get3A_14 {offsets = [8, 0], sizes = [1, 1024], strides = [1, 1]} : vector<32x1024xbf16> to vector<1x1024xbf16>
    %slice3A_133 = vector.extract_strided_slice %convert_element_type3A {offsets = [0, 8], sizes = [64, 1], strides = [1, 1]} : vector<64x32xbf16> to vector<64x1xbf16>
    %sub3A_134 = vector.broadcast %slice3A_133 : vector<64x1xbf16> to vector<64x1024xbf16>
    %sub3A_135 = vector.broadcast %slice3A_132 : vector<1x1024xbf16> to vector<64x1024xbf16>
    %sub3A_136 = arith.subf %sub3A_134, %sub3A_135 : vector<64x1024xbf16>
    %abs3A_137 = math.absf %sub3A_136 : vector<64x1024xbf16>
    %sub3A_138 = arith.subf %broadcast_in_dim3A_129, %abs3A_137 : vector<64x1024xbf16>
    %slice3A_139 = vector.extract_strided_slice %convert_element_type3A_11 {offsets = [0, 8], sizes = [64, 1], strides = [1, 1]} : vector<64x32xbf16> to vector<64x1xbf16>
    %sub3A_140 = vector.broadcast %slice3A_139 : vector<64x1xbf16> to vector<64x1024xbf16>
    %sub3A_141 = vector.broadcast %slice3A_132 : vector<1x1024xbf16> to vector<64x1024xbf16>
    %sub3A_142 = arith.subf %sub3A_140, %sub3A_141 : vector<64x1024xbf16>
    %abs3A_143 = math.absf %sub3A_142 : vector<64x1024xbf16>
    %sub3A_144 = arith.subf %broadcast_in_dim3A_131, %abs3A_143 : vector<64x1024xbf16>
    %slice3A_145 = vector.extract_strided_slice %get3A_14 {offsets = [9, 0], sizes = [1, 1024], strides = [1, 1]} : vector<32x1024xbf16> to vector<1x1024xbf16>
    %slice3A_146 = vector.extract_strided_slice %convert_element_type3A {offsets = [0, 9], sizes = [64, 1], strides = [1, 1]} : vector<64x32xbf16> to vector<64x1xbf16>
    %sub3A_147 = vector.broadcast %slice3A_146 : vector<64x1xbf16> to vector<64x1024xbf16>
    %sub3A_148 = vector.broadcast %slice3A_145 : vector<1x1024xbf16> to vector<64x1024xbf16>
    %sub3A_149 = arith.subf %sub3A_147, %sub3A_148 : vector<64x1024xbf16>
    %abs3A_150 = math.absf %sub3A_149 : vector<64x1024xbf16>
    %sub3A_151 = arith.subf %sub3A_138, %abs3A_150 : vector<64x1024xbf16>
    %slice3A_152 = vector.extract_strided_slice %convert_element_type3A_11 {offsets = [0, 9], sizes = [64, 1], strides = [1, 1]} : vector<64x32xbf16> to vector<64x1xbf16>
    %sub3A_153 = vector.broadcast %slice3A_152 : vector<64x1xbf16> to vector<64x1024xbf16>
    %sub3A_154 = vector.broadcast %slice3A_145 : vector<1x1024xbf16> to vector<64x1024xbf16>
    %sub3A_155 = arith.subf %sub3A_153, %sub3A_154 : vector<64x1024xbf16>
    %abs3A_156 = math.absf %sub3A_155 : vector<64x1024xbf16>
    %sub3A_157 = arith.subf %sub3A_144, %abs3A_156 : vector<64x1024xbf16>
    %slice3A_158 = vector.extract_strided_slice %get3A_14 {offsets = [10, 0], sizes = [1, 1024], strides = [1, 1]} : vector<32x1024xbf16> to vector<1x1024xbf16>
    %slice3A_159 = vector.extract_strided_slice %convert_element_type3A {offsets = [0, 10], sizes = [64, 1], strides = [1, 1]} : vector<64x32xbf16> to vector<64x1xbf16>
    %sub3A_160 = vector.broadcast %slice3A_159 : vector<64x1xbf16> to vector<64x1024xbf16>
    %sub3A_161 = vector.broadcast %slice3A_158 : vector<1x1024xbf16> to vector<64x1024xbf16>
    %sub3A_162 = arith.subf %sub3A_160, %sub3A_161 : vector<64x1024xbf16>
    %abs3A_163 = math.absf %sub3A_162 : vector<64x1024xbf16>
    %sub3A_164 = arith.subf %sub3A_151, %abs3A_163 : vector<64x1024xbf16>
    %slice3A_165 = vector.extract_strided_slice %convert_element_type3A_11 {offsets = [0, 10], sizes = [64, 1], strides = [1, 1]} : vector<64x32xbf16> to vector<64x1xbf16>
    %sub3A_166 = vector.broadcast %slice3A_165 : vector<64x1xbf16> to vector<64x1024xbf16>
    %sub3A_167 = vector.broadcast %slice3A_158 : vector<1x1024xbf16> to vector<64x1024xbf16>
    %sub3A_168 = arith.subf %sub3A_166, %sub3A_167 : vector<64x1024xbf16>
    %abs3A_169 = math.absf %sub3A_168 : vector<64x1024xbf16>
    %sub3A_170 = arith.subf %sub3A_157, %abs3A_169 : vector<64x1024xbf16>
    %slice3A_171 = vector.extract_strided_slice %get3A_14 {offsets = [11, 0], sizes = [1, 1024], strides = [1, 1]} : vector<32x1024xbf16> to vector<1x1024xbf16>
    %slice3A_172 = vector.extract_strided_slice %convert_element_type3A {offsets = [0, 11], sizes = [64, 1], strides = [1, 1]} : vector<64x32xbf16> to vector<64x1xbf16>
    %sub3A_173 = vector.broadcast %slice3A_172 : vector<64x1xbf16> to vector<64x1024xbf16>
    %sub3A_174 = vector.broadcast %slice3A_171 : vector<1x1024xbf16> to vector<64x1024xbf16>
    %sub3A_175 = arith.subf %sub3A_173, %sub3A_174 : vector<64x1024xbf16>
    %abs3A_176 = math.absf %sub3A_175 : vector<64x1024xbf16>
    %sub3A_177 = arith.subf %sub3A_164, %abs3A_176 : vector<64x1024xbf16>
    %slice3A_178 = vector.extract_strided_slice %convert_element_type3A_11 {offsets = [0, 11], sizes = [64, 1], strides = [1, 1]} : vector<64x32xbf16> to vector<64x1xbf16>
    %sub3A_179 = vector.broadcast %slice3A_178 : vector<64x1xbf16> to vector<64x1024xbf16>
    %sub3A_180 = vector.broadcast %slice3A_171 : vector<1x1024xbf16> to vector<64x1024xbf16>
    %sub3A_181 = arith.subf %sub3A_179, %sub3A_180 : vector<64x1024xbf16>
    %abs3A_182 = math.absf %sub3A_181 : vector<64x1024xbf16>
    %sub3A_183 = arith.subf %sub3A_170, %abs3A_182 : vector<64x1024xbf16>
    %slice3A_184 = vector.extract_strided_slice %get3A_14 {offsets = [12, 0], sizes = [1, 1024], strides = [1, 1]} : vector<32x1024xbf16> to vector<1x1024xbf16>
    %slice3A_185 = vector.extract_strided_slice %convert_element_type3A {offsets = [0, 12], sizes = [64, 1], strides = [1, 1]} : vector<64x32xbf16> to vector<64x1xbf16>
    %sub3A_186 = vector.broadcast %slice3A_185 : vector<64x1xbf16> to vector<64x1024xbf16>
    %sub3A_187 = vector.broadcast %slice3A_184 : vector<1x1024xbf16> to vector<64x1024xbf16>
    %sub3A_188 = arith.subf %sub3A_186, %sub3A_187 : vector<64x1024xbf16>
    %abs3A_189 = math.absf %sub3A_188 : vector<64x1024xbf16>
    %sub3A_190 = arith.subf %sub3A_177, %abs3A_189 : vector<64x1024xbf16>
    %slice3A_191 = vector.extract_strided_slice %convert_element_type3A_11 {offsets = [0, 12], sizes = [64, 1], strides = [1, 1]} : vector<64x32xbf16> to vector<64x1xbf16>
    %sub3A_192 = vector.broadcast %slice3A_191 : vector<64x1xbf16> to vector<64x1024xbf16>
    %sub3A_193 = vector.broadcast %slice3A_184 : vector<1x1024xbf16> to vector<64x1024xbf16>
    %sub3A_194 = arith.subf %sub3A_192, %sub3A_193 : vector<64x1024xbf16>
    %abs3A_195 = math.absf %sub3A_194 : vector<64x1024xbf16>
    %sub3A_196 = arith.subf %sub3A_183, %abs3A_195 : vector<64x1024xbf16>
    %slice3A_197 = vector.extract_strided_slice %get3A_14 {offsets = [13, 0], sizes = [1, 1024], strides = [1, 1]} : vector<32x1024xbf16> to vector<1x1024xbf16>
    %slice3A_198 = vector.extract_strided_slice %convert_element_type3A {offsets = [0, 13], sizes = [64, 1], strides = [1, 1]} : vector<64x32xbf16> to vector<64x1xbf16>
    %sub3A_199 = vector.broadcast %slice3A_198 : vector<64x1xbf16> to vector<64x1024xbf16>
    %sub3A_200 = vector.broadcast %slice3A_197 : vector<1x1024xbf16> to vector<64x1024xbf16>
    %sub3A_201 = arith.subf %sub3A_199, %sub3A_200 : vector<64x1024xbf16>
    %abs3A_202 = math.absf %sub3A_201 : vector<64x1024xbf16>
    %sub3A_203 = arith.subf %sub3A_190, %abs3A_202 : vector<64x1024xbf16>
    %slice3A_204 = vector.extract_strided_slice %convert_element_type3A_11 {offsets = [0, 13], sizes = [64, 1], strides = [1, 1]} : vector<64x32xbf16> to vector<64x1xbf16>
    %sub3A_205 = vector.broadcast %slice3A_204 : vector<64x1xbf16> to vector<64x1024xbf16>
    %sub3A_206 = vector.broadcast %slice3A_197 : vector<1x1024xbf16> to vector<64x1024xbf16>
    %sub3A_207 = arith.subf %sub3A_205, %sub3A_206 : vector<64x1024xbf16>
    %abs3A_208 = math.absf %sub3A_207 : vector<64x1024xbf16>
    %sub3A_209 = arith.subf %sub3A_196, %abs3A_208 : vector<64x1024xbf16>
    %slice3A_210 = vector.extract_strided_slice %get3A_14 {offsets = [14, 0], sizes = [1, 1024], strides = [1, 1]} : vector<32x1024xbf16> to vector<1x1024xbf16>
    %slice3A_211 = vector.extract_strided_slice %convert_element_type3A {offsets = [0, 14], sizes = [64, 1], strides = [1, 1]} : vector<64x32xbf16> to vector<64x1xbf16>
    %sub3A_212 = vector.broadcast %slice3A_211 : vector<64x1xbf16> to vector<64x1024xbf16>
    %sub3A_213 = vector.broadcast %slice3A_210 : vector<1x1024xbf16> to vector<64x1024xbf16>
    %sub3A_214 = arith.subf %sub3A_212, %sub3A_213 : vector<64x1024xbf16>
    %abs3A_215 = math.absf %sub3A_214 : vector<64x1024xbf16>
    %sub3A_216 = arith.subf %sub3A_203, %abs3A_215 : vector<64x1024xbf16>
    %slice3A_217 = vector.extract_strided_slice %convert_element_type3A_11 {offsets = [0, 14], sizes = [64, 1], strides = [1, 1]} : vector<64x32xbf16> to vector<64x1xbf16>
    %sub3A_218 = vector.broadcast %slice3A_217 : vector<64x1xbf16> to vector<64x1024xbf16>
    %sub3A_219 = vector.broadcast %slice3A_210 : vector<1x1024xbf16> to vector<64x1024xbf16>
    %sub3A_220 = arith.subf %sub3A_218, %sub3A_219 : vector<64x1024xbf16>
    %abs3A_221 = math.absf %sub3A_220 : vector<64x1024xbf16>
    %sub3A_222 = arith.subf %sub3A_209, %abs3A_221 : vector<64x1024xbf16>
    %slice3A_223 = vector.extract_strided_slice %get3A_14 {offsets = [15, 0], sizes = [1, 1024], strides = [1, 1]} : vector<32x1024xbf16> to vector<1x1024xbf16>
    %slice3A_224 = vector.extract_strided_slice %convert_element_type3A {offsets = [0, 15], sizes = [64, 1], strides = [1, 1]} : vector<64x32xbf16> to vector<64x1xbf16>
    %sub3A_225 = vector.broadcast %slice3A_224 : vector<64x1xbf16> to vector<64x1024xbf16>
    %sub3A_226 = vector.broadcast %slice3A_223 : vector<1x1024xbf16> to vector<64x1024xbf16>
    %sub3A_227 = arith.subf %sub3A_225, %sub3A_226 : vector<64x1024xbf16>
    %abs3A_228 = math.absf %sub3A_227 : vector<64x1024xbf16>
    %sub3A_229 = arith.subf %sub3A_216, %abs3A_228 : vector<64x1024xbf16>
    %slice3A_230 = vector.extract_strided_slice %convert_element_type3A_11 {offsets = [0, 15], sizes = [64, 1], strides = [1, 1]} : vector<64x32xbf16> to vector<64x1xbf16>
    %sub3A_231 = vector.broadcast %slice3A_230 : vector<64x1xbf16> to vector<64x1024xbf16>
    %sub3A_232 = vector.broadcast %slice3A_223 : vector<1x1024xbf16> to vector<64x1024xbf16>
    %sub3A_233 = arith.subf %sub3A_231, %sub3A_232 : vector<64x1024xbf16>
    %abs3A_234 = math.absf %sub3A_233 : vector<64x1024xbf16>
    %sub3A_235 = arith.subf %sub3A_222, %abs3A_234 : vector<64x1024xbf16>
    %convert_element_type3A_236 = arith.extf %sub3A_229 : vector<64x1024xbf16> to vector<64x1024xf32>
    %add3A_237 = arith.addf %add3A_125, %convert_element_type3A_236 : vector<64x1024xf32>
    %convert_element_type3A_238 = arith.extf %sub3A_235 : vector<64x1024xbf16> to vector<64x1024xf32>
    %add3A_239 = arith.addf %add3A_127, %convert_element_type3A_238 : vector<64x1024xf32>
    %broadcast_in_dim3A_240 = arith.constant 0.000000e+00 : bf16
    %broadcast_in_dim3A_241 = vector.broadcast %broadcast_in_dim3A_240 : bf16 to vector<64x1024xbf16>
    %broadcast_in_dim3A_242 = arith.constant 0.000000e+00 : bf16
    %broadcast_in_dim3A_243 = vector.broadcast %broadcast_in_dim3A_242 : bf16 to vector<64x1024xbf16>
    %slice3A_244 = vector.extract_strided_slice %get3A_14 {offsets = [16, 0], sizes = [1, 1024], strides = [1, 1]} : vector<32x1024xbf16> to vector<1x1024xbf16>
    %slice3A_245 = vector.extract_strided_slice %convert_element_type3A {offsets = [0, 16], sizes = [64, 1], strides = [1, 1]} : vector<64x32xbf16> to vector<64x1xbf16>
    %sub3A_246 = vector.broadcast %slice3A_245 : vector<64x1xbf16> to vector<64x1024xbf16>
    %sub3A_247 = vector.broadcast %slice3A_244 : vector<1x1024xbf16> to vector<64x1024xbf16>
    %sub3A_248 = arith.subf %sub3A_246, %sub3A_247 : vector<64x1024xbf16>
    %abs3A_249 = math.absf %sub3A_248 : vector<64x1024xbf16>
    %sub3A_250 = arith.subf %broadcast_in_dim3A_241, %abs3A_249 : vector<64x1024xbf16>
    %slice3A_251 = vector.extract_strided_slice %convert_element_type3A_11 {offsets = [0, 16], sizes = [64, 1], strides = [1, 1]} : vector<64x32xbf16> to vector<64x1xbf16>
    %sub3A_252 = vector.broadcast %slice3A_251 : vector<64x1xbf16> to vector<64x1024xbf16>
    %sub3A_253 = vector.broadcast %slice3A_244 : vector<1x1024xbf16> to vector<64x1024xbf16>
    %sub3A_254 = arith.subf %sub3A_252, %sub3A_253 : vector<64x1024xbf16>
    %abs3A_255 = math.absf %sub3A_254 : vector<64x1024xbf16>
    %sub3A_256 = arith.subf %broadcast_in_dim3A_243, %abs3A_255 : vector<64x1024xbf16>
    %slice3A_257 = vector.extract_strided_slice %get3A_14 {offsets = [17, 0], sizes = [1, 1024], strides = [1, 1]} : vector<32x1024xbf16> to vector<1x1024xbf16>
    %slice3A_258 = vector.extract_strided_slice %convert_element_type3A {offsets = [0, 17], sizes = [64, 1], strides = [1, 1]} : vector<64x32xbf16> to vector<64x1xbf16>
    %sub3A_259 = vector.broadcast %slice3A_258 : vector<64x1xbf16> to vector<64x1024xbf16>
    %sub3A_260 = vector.broadcast %slice3A_257 : vector<1x1024xbf16> to vector<64x1024xbf16>
    %sub3A_261 = arith.subf %sub3A_259, %sub3A_260 : vector<64x1024xbf16>
    %abs3A_262 = math.absf %sub3A_261 : vector<64x1024xbf16>
    %sub3A_263 = arith.subf %sub3A_250, %abs3A_262 : vector<64x1024xbf16>
    %slice3A_264 = vector.extract_strided_slice %convert_element_type3A_11 {offsets = [0, 17], sizes = [64, 1], strides = [1, 1]} : vector<64x32xbf16> to vector<64x1xbf16>
    %sub3A_265 = vector.broadcast %slice3A_264 : vector<64x1xbf16> to vector<64x1024xbf16>
    %sub3A_266 = vector.broadcast %slice3A_257 : vector<1x1024xbf16> to vector<64x1024xbf16>
    %sub3A_267 = arith.subf %sub3A_265, %sub3A_266 : vector<64x1024xbf16>
    %abs3A_268 = math.absf %sub3A_267 : vector<64x1024xbf16>
    %sub3A_269 = arith.subf %sub3A_256, %abs3A_268 : vector<64x1024xbf16>
    %slice3A_270 = vector.extract_strided_slice %get3A_14 {offsets = [18, 0], sizes = [1, 1024], strides = [1, 1]} : vector<32x1024xbf16> to vector<1x1024xbf16>
    %slice3A_271 = vector.extract_strided_slice %convert_element_type3A {offsets = [0, 18], sizes = [64, 1], strides = [1, 1]} : vector<64x32xbf16> to vector<64x1xbf16>
    %sub3A_272 = vector.broadcast %slice3A_271 : vector<64x1xbf16> to vector<64x1024xbf16>
    %sub3A_273 = vector.broadcast %slice3A_270 : vector<1x1024xbf16> to vector<64x1024xbf16>
    %sub3A_274 = arith.subf %sub3A_272, %sub3A_273 : vector<64x1024xbf16>
    %abs3A_275 = math.absf %sub3A_274 : vector<64x1024xbf16>
    %sub3A_276 = arith.subf %sub3A_263, %abs3A_275 : vector<64x1024xbf16>
    %slice3A_277 = vector.extract_strided_slice %convert_element_type3A_11 {offsets = [0, 18], sizes = [64, 1], strides = [1, 1]} : vector<64x32xbf16> to vector<64x1xbf16>
    %sub3A_278 = vector.broadcast %slice3A_277 : vector<64x1xbf16> to vector<64x1024xbf16>
    %sub3A_279 = vector.broadcast %slice3A_270 : vector<1x1024xbf16> to vector<64x1024xbf16>
    %sub3A_280 = arith.subf %sub3A_278, %sub3A_279 : vector<64x1024xbf16>
    %abs3A_281 = math.absf %sub3A_280 : vector<64x1024xbf16>
    %sub3A_282 = arith.subf %sub3A_269, %abs3A_281 : vector<64x1024xbf16>
    %slice3A_283 = vector.extract_strided_slice %get3A_14 {offsets = [19, 0], sizes = [1, 1024], strides = [1, 1]} : vector<32x1024xbf16> to vector<1x1024xbf16>
    %slice3A_284 = vector.extract_strided_slice %convert_element_type3A {offsets = [0, 19], sizes = [64, 1], strides = [1, 1]} : vector<64x32xbf16> to vector<64x1xbf16>
    %sub3A_285 = vector.broadcast %slice3A_284 : vector<64x1xbf16> to vector<64x1024xbf16>
    %sub3A_286 = vector.broadcast %slice3A_283 : vector<1x1024xbf16> to vector<64x1024xbf16>
    %sub3A_287 = arith.subf %sub3A_285, %sub3A_286 : vector<64x1024xbf16>
    %abs3A_288 = math.absf %sub3A_287 : vector<64x1024xbf16>
    %sub3A_289 = arith.subf %sub3A_276, %abs3A_288 : vector<64x1024xbf16>
    %slice3A_290 = vector.extract_strided_slice %convert_element_type3A_11 {offsets = [0, 19], sizes = [64, 1], strides = [1, 1]} : vector<64x32xbf16> to vector<64x1xbf16>
    %sub3A_291 = vector.broadcast %slice3A_290 : vector<64x1xbf16> to vector<64x1024xbf16>
    %sub3A_292 = vector.broadcast %slice3A_283 : vector<1x1024xbf16> to vector<64x1024xbf16>
    %sub3A_293 = arith.subf %sub3A_291, %sub3A_292 : vector<64x1024xbf16>
    %abs3A_294 = math.absf %sub3A_293 : vector<64x1024xbf16>
    %sub3A_295 = arith.subf %sub3A_282, %abs3A_294 : vector<64x1024xbf16>
    %slice3A_296 = vector.extract_strided_slice %get3A_14 {offsets = [20, 0], sizes = [1, 1024], strides = [1, 1]} : vector<32x1024xbf16> to vector<1x1024xbf16>
    %slice3A_297 = vector.extract_strided_slice %convert_element_type3A {offsets = [0, 20], sizes = [64, 1], strides = [1, 1]} : vector<64x32xbf16> to vector<64x1xbf16>
    %sub3A_298 = vector.broadcast %slice3A_297 : vector<64x1xbf16> to vector<64x1024xbf16>
    %sub3A_299 = vector.broadcast %slice3A_296 : vector<1x1024xbf16> to vector<64x1024xbf16>
    %sub3A_300 = arith.subf %sub3A_298, %sub3A_299 : vector<64x1024xbf16>
    %abs3A_301 = math.absf %sub3A_300 : vector<64x1024xbf16>
    %sub3A_302 = arith.subf %sub3A_289, %abs3A_301 : vector<64x1024xbf16>
    %slice3A_303 = vector.extract_strided_slice %convert_element_type3A_11 {offsets = [0, 20], sizes = [64, 1], strides = [1, 1]} : vector<64x32xbf16> to vector<64x1xbf16>
    %sub3A_304 = vector.broadcast %slice3A_303 : vector<64x1xbf16> to vector<64x1024xbf16>
    %sub3A_305 = vector.broadcast %slice3A_296 : vector<1x1024xbf16> to vector<64x1024xbf16>
    %sub3A_306 = arith.subf %sub3A_304, %sub3A_305 : vector<64x1024xbf16>
    %abs3A_307 = math.absf %sub3A_306 : vector<64x1024xbf16>
    %sub3A_308 = arith.subf %sub3A_295, %abs3A_307 : vector<64x1024xbf16>
    %slice3A_309 = vector.extract_strided_slice %get3A_14 {offsets = [21, 0], sizes = [1, 1024], strides = [1, 1]} : vector<32x1024xbf16> to vector<1x1024xbf16>
    %slice3A_310 = vector.extract_strided_slice %convert_element_type3A {offsets = [0, 21], sizes = [64, 1], strides = [1, 1]} : vector<64x32xbf16> to vector<64x1xbf16>
    %sub3A_311 = vector.broadcast %slice3A_310 : vector<64x1xbf16> to vector<64x1024xbf16>
    %sub3A_312 = vector.broadcast %slice3A_309 : vector<1x1024xbf16> to vector<64x1024xbf16>
    %sub3A_313 = arith.subf %sub3A_311, %sub3A_312 : vector<64x1024xbf16>
    %abs3A_314 = math.absf %sub3A_313 : vector<64x1024xbf16>
    %sub3A_315 = arith.subf %sub3A_302, %abs3A_314 : vector<64x1024xbf16>
    %slice3A_316 = vector.extract_strided_slice %convert_element_type3A_11 {offsets = [0, 21], sizes = [64, 1], strides = [1, 1]} : vector<64x32xbf16> to vector<64x1xbf16>
    %sub3A_317 = vector.broadcast %slice3A_316 : vector<64x1xbf16> to vector<64x1024xbf16>
    %sub3A_318 = vector.broadcast %slice3A_309 : vector<1x1024xbf16> to vector<64x1024xbf16>
    %sub3A_319 = arith.subf %sub3A_317, %sub3A_318 : vector<64x1024xbf16>
    %abs3A_320 = math.absf %sub3A_319 : vector<64x1024xbf16>
    %sub3A_321 = arith.subf %sub3A_308, %abs3A_320 : vector<64x1024xbf16>
    %slice3A_322 = vector.extract_strided_slice %get3A_14 {offsets = [22, 0], sizes = [1, 1024], strides = [1, 1]} : vector<32x1024xbf16> to vector<1x1024xbf16>
    %slice3A_323 = vector.extract_strided_slice %convert_element_type3A {offsets = [0, 22], sizes = [64, 1], strides = [1, 1]} : vector<64x32xbf16> to vector<64x1xbf16>
    %sub3A_324 = vector.broadcast %slice3A_323 : vector<64x1xbf16> to vector<64x1024xbf16>
    %sub3A_325 = vector.broadcast %slice3A_322 : vector<1x1024xbf16> to vector<64x1024xbf16>
    %sub3A_326 = arith.subf %sub3A_324, %sub3A_325 : vector<64x1024xbf16>
    %abs3A_327 = math.absf %sub3A_326 : vector<64x1024xbf16>
    %sub3A_328 = arith.subf %sub3A_315, %abs3A_327 : vector<64x1024xbf16>
    %slice3A_329 = vector.extract_strided_slice %convert_element_type3A_11 {offsets = [0, 22], sizes = [64, 1], strides = [1, 1]} : vector<64x32xbf16> to vector<64x1xbf16>
    %sub3A_330 = vector.broadcast %slice3A_329 : vector<64x1xbf16> to vector<64x1024xbf16>
    %sub3A_331 = vector.broadcast %slice3A_322 : vector<1x1024xbf16> to vector<64x1024xbf16>
    %sub3A_332 = arith.subf %sub3A_330, %sub3A_331 : vector<64x1024xbf16>
    %abs3A_333 = math.absf %sub3A_332 : vector<64x1024xbf16>
    %sub3A_334 = arith.subf %sub3A_321, %abs3A_333 : vector<64x1024xbf16>
    %slice3A_335 = vector.extract_strided_slice %get3A_14 {offsets = [23, 0], sizes = [1, 1024], strides = [1, 1]} : vector<32x1024xbf16> to vector<1x1024xbf16>
    %slice3A_336 = vector.extract_strided_slice %convert_element_type3A {offsets = [0, 23], sizes = [64, 1], strides = [1, 1]} : vector<64x32xbf16> to vector<64x1xbf16>
    %sub3A_337 = vector.broadcast %slice3A_336 : vector<64x1xbf16> to vector<64x1024xbf16>
    %sub3A_338 = vector.broadcast %slice3A_335 : vector<1x1024xbf16> to vector<64x1024xbf16>
    %sub3A_339 = arith.subf %sub3A_337, %sub3A_338 : vector<64x1024xbf16>
    %abs3A_340 = math.absf %sub3A_339 : vector<64x1024xbf16>
    %sub3A_341 = arith.subf %sub3A_328, %abs3A_340 : vector<64x1024xbf16>
    %slice3A_342 = vector.extract_strided_slice %convert_element_type3A_11 {offsets = [0, 23], sizes = [64, 1], strides = [1, 1]} : vector<64x32xbf16> to vector<64x1xbf16>
    %sub3A_343 = vector.broadcast %slice3A_342 : vector<64x1xbf16> to vector<64x1024xbf16>
    %sub3A_344 = vector.broadcast %slice3A_335 : vector<1x1024xbf16> to vector<64x1024xbf16>
    %sub3A_345 = arith.subf %sub3A_343, %sub3A_344 : vector<64x1024xbf16>
    %abs3A_346 = math.absf %sub3A_345 : vector<64x1024xbf16>
    %sub3A_347 = arith.subf %sub3A_334, %abs3A_346 : vector<64x1024xbf16>
    %convert_element_type3A_348 = arith.extf %sub3A_341 : vector<64x1024xbf16> to vector<64x1024xf32>
    %add3A_349 = arith.addf %add3A_237, %convert_element_type3A_348 : vector<64x1024xf32>
    %convert_element_type3A_350 = arith.extf %sub3A_347 : vector<64x1024xbf16> to vector<64x1024xf32>
    %add3A_351 = arith.addf %add3A_239, %convert_element_type3A_350 : vector<64x1024xf32>
    %broadcast_in_dim3A_352 = arith.constant 0.000000e+00 : bf16
    %broadcast_in_dim3A_353 = vector.broadcast %broadcast_in_dim3A_352 : bf16 to vector<64x1024xbf16>
    %broadcast_in_dim3A_354 = arith.constant 0.000000e+00 : bf16
    %broadcast_in_dim3A_355 = vector.broadcast %broadcast_in_dim3A_354 : bf16 to vector<64x1024xbf16>
    %slice3A_356 = vector.extract_strided_slice %get3A_14 {offsets = [24, 0], sizes = [1, 1024], strides = [1, 1]} : vector<32x1024xbf16> to vector<1x1024xbf16>
    %slice3A_357 = vector.extract_strided_slice %convert_element_type3A {offsets = [0, 24], sizes = [64, 1], strides = [1, 1]} : vector<64x32xbf16> to vector<64x1xbf16>
    %sub3A_358 = vector.broadcast %slice3A_357 : vector<64x1xbf16> to vector<64x1024xbf16>
    %sub3A_359 = vector.broadcast %slice3A_356 : vector<1x1024xbf16> to vector<64x1024xbf16>
    %sub3A_360 = arith.subf %sub3A_358, %sub3A_359 : vector<64x1024xbf16>
    %abs3A_361 = math.absf %sub3A_360 : vector<64x1024xbf16>
    %sub3A_362 = arith.subf %broadcast_in_dim3A_353, %abs3A_361 : vector<64x1024xbf16>
    %slice3A_363 = vector.extract_strided_slice %convert_element_type3A_11 {offsets = [0, 24], sizes = [64, 1], strides = [1, 1]} : vector<64x32xbf16> to vector<64x1xbf16>
    %sub3A_364 = vector.broadcast %slice3A_363 : vector<64x1xbf16> to vector<64x1024xbf16>
    %sub3A_365 = vector.broadcast %slice3A_356 : vector<1x1024xbf16> to vector<64x1024xbf16>
    %sub3A_366 = arith.subf %sub3A_364, %sub3A_365 : vector<64x1024xbf16>
    %abs3A_367 = math.absf %sub3A_366 : vector<64x1024xbf16>
    %sub3A_368 = arith.subf %broadcast_in_dim3A_355, %abs3A_367 : vector<64x1024xbf16>
    %slice3A_369 = vector.extract_strided_slice %get3A_14 {offsets = [25, 0], sizes = [1, 1024], strides = [1, 1]} : vector<32x1024xbf16> to vector<1x1024xbf16>
    %slice3A_370 = vector.extract_strided_slice %convert_element_type3A {offsets = [0, 25], sizes = [64, 1], strides = [1, 1]} : vector<64x32xbf16> to vector<64x1xbf16>
    %sub3A_371 = vector.broadcast %slice3A_370 : vector<64x1xbf16> to vector<64x1024xbf16>
    %sub3A_372 = vector.broadcast %slice3A_369 : vector<1x1024xbf16> to vector<64x1024xbf16>
    %sub3A_373 = arith.subf %sub3A_371, %sub3A_372 : vector<64x1024xbf16>
    %abs3A_374 = math.absf %sub3A_373 : vector<64x1024xbf16>
    %sub3A_375 = arith.subf %sub3A_362, %abs3A_374 : vector<64x1024xbf16>
    %slice3A_376 = vector.extract_strided_slice %convert_element_type3A_11 {offsets = [0, 25], sizes = [64, 1], strides = [1, 1]} : vector<64x32xbf16> to vector<64x1xbf16>
    %sub3A_377 = vector.broadcast %slice3A_376 : vector<64x1xbf16> to vector<64x1024xbf16>
    %sub3A_378 = vector.broadcast %slice3A_369 : vector<1x1024xbf16> to vector<64x1024xbf16>
    %sub3A_379 = arith.subf %sub3A_377, %sub3A_378 : vector<64x1024xbf16>
    %abs3A_380 = math.absf %sub3A_379 : vector<64x1024xbf16>
    %sub3A_381 = arith.subf %sub3A_368, %abs3A_380 : vector<64x1024xbf16>
    %slice3A_382 = vector.extract_strided_slice %get3A_14 {offsets = [26, 0], sizes = [1, 1024], strides = [1, 1]} : vector<32x1024xbf16> to vector<1x1024xbf16>
    %slice3A_383 = vector.extract_strided_slice %convert_element_type3A {offsets = [0, 26], sizes = [64, 1], strides = [1, 1]} : vector<64x32xbf16> to vector<64x1xbf16>
    %sub3A_384 = vector.broadcast %slice3A_383 : vector<64x1xbf16> to vector<64x1024xbf16>
    %sub3A_385 = vector.broadcast %slice3A_382 : vector<1x1024xbf16> to vector<64x1024xbf16>
    %sub3A_386 = arith.subf %sub3A_384, %sub3A_385 : vector<64x1024xbf16>
    %abs3A_387 = math.absf %sub3A_386 : vector<64x1024xbf16>
    %sub3A_388 = arith.subf %sub3A_375, %abs3A_387 : vector<64x1024xbf16>
    %slice3A_389 = vector.extract_strided_slice %convert_element_type3A_11 {offsets = [0, 26], sizes = [64, 1], strides = [1, 1]} : vector<64x32xbf16> to vector<64x1xbf16>
    %sub3A_390 = vector.broadcast %slice3A_389 : vector<64x1xbf16> to vector<64x1024xbf16>
    %sub3A_391 = vector.broadcast %slice3A_382 : vector<1x1024xbf16> to vector<64x1024xbf16>
    %sub3A_392 = arith.subf %sub3A_390, %sub3A_391 : vector<64x1024xbf16>
    %abs3A_393 = math.absf %sub3A_392 : vector<64x1024xbf16>
    %sub3A_394 = arith.subf %sub3A_381, %abs3A_393 : vector<64x1024xbf16>
    %slice3A_395 = vector.extract_strided_slice %get3A_14 {offsets = [27, 0], sizes = [1, 1024], strides = [1, 1]} : vector<32x1024xbf16> to vector<1x1024xbf16>
    %slice3A_396 = vector.extract_strided_slice %convert_element_type3A {offsets = [0, 27], sizes = [64, 1], strides = [1, 1]} : vector<64x32xbf16> to vector<64x1xbf16>
    %sub3A_397 = vector.broadcast %slice3A_396 : vector<64x1xbf16> to vector<64x1024xbf16>
    %sub3A_398 = vector.broadcast %slice3A_395 : vector<1x1024xbf16> to vector<64x1024xbf16>
    %sub3A_399 = arith.subf %sub3A_397, %sub3A_398 : vector<64x1024xbf16>
    %abs3A_400 = math.absf %sub3A_399 : vector<64x1024xbf16>
    %sub3A_401 = arith.subf %sub3A_388, %abs3A_400 : vector<64x1024xbf16>
    %slice3A_402 = vector.extract_strided_slice %convert_element_type3A_11 {offsets = [0, 27], sizes = [64, 1], strides = [1, 1]} : vector<64x32xbf16> to vector<64x1xbf16>
    %sub3A_403 = vector.broadcast %slice3A_402 : vector<64x1xbf16> to vector<64x1024xbf16>
    %sub3A_404 = vector.broadcast %slice3A_395 : vector<1x1024xbf16> to vector<64x1024xbf16>
    %sub3A_405 = arith.subf %sub3A_403, %sub3A_404 : vector<64x1024xbf16>
    %abs3A_406 = math.absf %sub3A_405 : vector<64x1024xbf16>
    %sub3A_407 = arith.subf %sub3A_394, %abs3A_406 : vector<64x1024xbf16>
    %slice3A_408 = vector.extract_strided_slice %get3A_14 {offsets = [28, 0], sizes = [1, 1024], strides = [1, 1]} : vector<32x1024xbf16> to vector<1x1024xbf16>
    %slice3A_409 = vector.extract_strided_slice %convert_element_type3A {offsets = [0, 28], sizes = [64, 1], strides = [1, 1]} : vector<64x32xbf16> to vector<64x1xbf16>
    %sub3A_410 = vector.broadcast %slice3A_409 : vector<64x1xbf16> to vector<64x1024xbf16>
    %sub3A_411 = vector.broadcast %slice3A_408 : vector<1x1024xbf16> to vector<64x1024xbf16>
    %sub3A_412 = arith.subf %sub3A_410, %sub3A_411 : vector<64x1024xbf16>
    %abs3A_413 = math.absf %sub3A_412 : vector<64x1024xbf16>
    %sub3A_414 = arith.subf %sub3A_401, %abs3A_413 : vector<64x1024xbf16>
    %slice3A_415 = vector.extract_strided_slice %convert_element_type3A_11 {offsets = [0, 28], sizes = [64, 1], strides = [1, 1]} : vector<64x32xbf16> to vector<64x1xbf16>
    %sub3A_416 = vector.broadcast %slice3A_415 : vector<64x1xbf16> to vector<64x1024xbf16>
    %sub3A_417 = vector.broadcast %slice3A_408 : vector<1x1024xbf16> to vector<64x1024xbf16>
    %sub3A_418 = arith.subf %sub3A_416, %sub3A_417 : vector<64x1024xbf16>
    %abs3A_419 = math.absf %sub3A_418 : vector<64x1024xbf16>
    %sub3A_420 = arith.subf %sub3A_407, %abs3A_419 : vector<64x1024xbf16>
    %slice3A_421 = vector.extract_strided_slice %get3A_14 {offsets = [29, 0], sizes = [1, 1024], strides = [1, 1]} : vector<32x1024xbf16> to vector<1x1024xbf16>
    %slice3A_422 = vector.extract_strided_slice %convert_element_type3A {offsets = [0, 29], sizes = [64, 1], strides = [1, 1]} : vector<64x32xbf16> to vector<64x1xbf16>
    %sub3A_423 = vector.broadcast %slice3A_422 : vector<64x1xbf16> to vector<64x1024xbf16>
    %sub3A_424 = vector.broadcast %slice3A_421 : vector<1x1024xbf16> to vector<64x1024xbf16>
    %sub3A_425 = arith.subf %sub3A_423, %sub3A_424 : vector<64x1024xbf16>
    %abs3A_426 = math.absf %sub3A_425 : vector<64x1024xbf16>
    %sub3A_427 = arith.subf %sub3A_414, %abs3A_426 : vector<64x1024xbf16>
    %slice3A_428 = vector.extract_strided_slice %convert_element_type3A_11 {offsets = [0, 29], sizes = [64, 1], strides = [1, 1]} : vector<64x32xbf16> to vector<64x1xbf16>
    %sub3A_429 = vector.broadcast %slice3A_428 : vector<64x1xbf16> to vector<64x1024xbf16>
    %sub3A_430 = vector.broadcast %slice3A_421 : vector<1x1024xbf16> to vector<64x1024xbf16>
    %sub3A_431 = arith.subf %sub3A_429, %sub3A_430 : vector<64x1024xbf16>
    %abs3A_432 = math.absf %sub3A_431 : vector<64x1024xbf16>
    %sub3A_433 = arith.subf %sub3A_420, %abs3A_432 : vector<64x1024xbf16>
    %slice3A_434 = vector.extract_strided_slice %get3A_14 {offsets = [30, 0], sizes = [1, 1024], strides = [1, 1]} : vector<32x1024xbf16> to vector<1x1024xbf16>
    %slice3A_435 = vector.extract_strided_slice %convert_element_type3A {offsets = [0, 30], sizes = [64, 1], strides = [1, 1]} : vector<64x32xbf16> to vector<64x1xbf16>
    %sub3A_436 = vector.broadcast %slice3A_435 : vector<64x1xbf16> to vector<64x1024xbf16>
    %sub3A_437 = vector.broadcast %slice3A_434 : vector<1x1024xbf16> to vector<64x1024xbf16>
    %sub3A_438 = arith.subf %sub3A_436, %sub3A_437 : vector<64x1024xbf16>
    %abs3A_439 = math.absf %sub3A_438 : vector<64x1024xbf16>
    %sub3A_440 = arith.subf %sub3A_427, %abs3A_439 : vector<64x1024xbf16>
    %slice3A_441 = vector.extract_strided_slice %convert_element_type3A_11 {offsets = [0, 30], sizes = [64, 1], strides = [1, 1]} : vector<64x32xbf16> to vector<64x1xbf16>
    %sub3A_442 = vector.broadcast %slice3A_441 : vector<64x1xbf16> to vector<64x1024xbf16>
    %sub3A_443 = vector.broadcast %slice3A_434 : vector<1x1024xbf16> to vector<64x1024xbf16>
    %sub3A_444 = arith.subf %sub3A_442, %sub3A_443 : vector<64x1024xbf16>
    %abs3A_445 = math.absf %sub3A_444 : vector<64x1024xbf16>
    %sub3A_446 = arith.subf %sub3A_433, %abs3A_445 : vector<64x1024xbf16>
    %slice3A_447 = vector.extract_strided_slice %get3A_14 {offsets = [31, 0], sizes = [1, 1024], strides = [1, 1]} : vector<32x1024xbf16> to vector<1x1024xbf16>
    %slice3A_448 = vector.extract_strided_slice %convert_element_type3A {offsets = [0, 31], sizes = [64, 1], strides = [1, 1]} : vector<64x32xbf16> to vector<64x1xbf16>
    %sub3A_449 = vector.broadcast %slice3A_448 : vector<64x1xbf16> to vector<64x1024xbf16>
    %sub3A_450 = vector.broadcast %slice3A_447 : vector<1x1024xbf16> to vector<64x1024xbf16>
    %sub3A_451 = arith.subf %sub3A_449, %sub3A_450 : vector<64x1024xbf16>
    %abs3A_452 = math.absf %sub3A_451 : vector<64x1024xbf16>
    %sub3A_453 = arith.subf %sub3A_440, %abs3A_452 : vector<64x1024xbf16>
    %slice3A_454 = vector.extract_strided_slice %convert_element_type3A_11 {offsets = [0, 31], sizes = [64, 1], strides = [1, 1]} : vector<64x32xbf16> to vector<64x1xbf16>
    %sub3A_455 = vector.broadcast %slice3A_454 : vector<64x1xbf16> to vector<64x1024xbf16>
    %sub3A_456 = vector.broadcast %slice3A_447 : vector<1x1024xbf16> to vector<64x1024xbf16>
    %sub3A_457 = arith.subf %sub3A_455, %sub3A_456 : vector<64x1024xbf16>
    %abs3A_458 = math.absf %sub3A_457 : vector<64x1024xbf16>
    %sub3A_459 = arith.subf %sub3A_446, %abs3A_458 : vector<64x1024xbf16>
    %convert_element_type3A_460 = arith.extf %sub3A_453 : vector<64x1024xbf16> to vector<64x1024xf32>
    %add3A_461 = arith.addf %add3A_349, %convert_element_type3A_460 : vector<64x1024xf32>
    %convert_element_type3A_462 = arith.extf %sub3A_459 : vector<64x1024xbf16> to vector<64x1024xf32>
    %add3A_463 = arith.addf %add3A_351, %convert_element_type3A_462 : vector<64x1024xf32>
    %swap3A = arith.constant 0 : index
    %swap3A_464 = arith.constant 0 : index
    %swap3A_465 = vector.load %arg5[%swap3A, %swap3A_464] : memref<64x1024xf32, #tpu.memory_space<vmem>>, vector<64x1024xf32>
    tpu.vector_store %arg5[%swap3A, %swap3A_464], %add3A_461 {strides = array<i32>} : memref<64x1024xf32, #tpu.memory_space<vmem>>, vector<64x1024xf32>,
    %swap3A_466 = arith.constant 0 : index
    %swap3A_467 = arith.constant 0 : index
    %swap3A_468 = vector.load %arg6[%swap3A_466, %swap3A_467] : memref<64x1024xf32, #tpu.memory_space<vmem>>, vector<64x1024xf32>
    tpu.vector_store %arg6[%swap3A_466, %swap3A_467], %add3A_463 {strides = array<i32>} : memref<64x1024xf32, #tpu.memory_space<vmem>>, vector<64x1024xf32>,
    return
  }
  func.func @transform_0(%arg0: i32) -> (i32, i32) {
    %c0_i32 = arith.constant 0 : i32
    %c0_i32_0 = arith.constant 0 : i32
    return %c0_i32, %arg0 : i32, i32
  }
  func.func @transform_1(%arg0: i32) -> (i32, i32) {
    %c0_i32 = arith.constant 0 : i32
    %c0_i32_0 = arith.constant 0 : i32
    %c0_i32_1 = arith.constant 0 : i32
    return %c0_i32, %c0_i32_0 : i32, i32
  }
  func.func @transform_2(%arg0: i32) -> (i32, i32) {
    %c0_i32 = arith.constant 0 : i32
    %c0_i32_0 = arith.constant 0 : i32
    %c0_i32_1 = arith.constant 0 : i32
    return %c0_i32, %c0_i32_0 : i32, i32
  }
  func.func @transform_3(%arg0: i32) -> (i32, i32) {
    %c0_i32 = arith.constant 0 : i32
    %c0_i32_0 = arith.constant 0 : i32
    %c0_i32_1 = arith.constant 0 : i32
    return %c0_i32, %c0_i32_0 : i32, i32
  }
  func.func @transform_4(%arg0: i32) -> (i32, i32) {
    %c0_i32 = arith.constant 0 : i32
    %c0_i32_0 = arith.constant 0 : i32
    return %c0_i32, %arg0 : i32, i32
  }
  func.func @transform_5(%arg0: i32) -> (i32, i32) {
    %c0_i32 = arith.constant 0 : i32
    %c0_i32_0 = arith.constant 0 : i32
    return %c0_i32, %arg0 : i32, i32
  }
}

</mosaic_0001>

<sc_bundles>
// kernel: kernel.4.cloned.1.call-start
scs
__scs_entry_jumppad:
0x0: {  	(pc) =	sbr.rel $0x88, $3  }
0x1: {  	(tag) =	ssettag $0x0;
	lr =	simm.s32 $0x1  }
0x2: {  	[smem:$0x3F9E] =	sst lr;
	_ =	strace $0xD0000000  }
0x3: {  	_ = 	snop  }
0x4: {  	_ = 	snop  }
0x5: {  	_ = 	snop  }
0x6: {  	_ = 	snop  }
0x7: {  	_ = 	snop  }
__scs_overlays_trampoline_lowered:
0x8: {  	[smem:$0x3FAD] =	sst s0  }
0x9: {  	[smem:$0x3FAE] =	sst s1  }
0xa: {  	[smem:$0x3FAF] =	sst s2  }
0xb: {  	[smem:$0x3FB0] =	sst s3  }
0xc: {  	[smem:$0x3FB1] =	sst s4  }
0xd: {  	[smem:$0x3FB2] =	sst s5  }
0xe: {  	[smem:$0x3FB3] =	sst s6  }
0xf: {  	[smem:$0x3FB4] =	sst s7  }
0x10: {  	[smem:$0x3FB5] =	sst s8  }
0x11: {  	[smem:$0x3FB6] =	sst s9;
	s0 =	simm.s32 @!p0 $0x0  }
0x12: {  	s1 =	sld [smem:$0x3F9C];
	s0 =	simm.s32 @p0 $0x1  }
0x13: {  	[smem:$0x3FB7] =	sst s0;
	s0 =	simm.s32 @!p1 $0x0  }
0x14: {  	s2 =	sld [smem:$0x3F9B];
	s0 =	simm.s32 @p1 $0x1  }
0x15: {  	[smem:$0x3FB8] =	sst s0;
	s0 =	simm.s32 @!p2 $0x0  }
0x16: {  	s3 =	sld [smem:$0x3FDB];
	s0 =	simm.s32 @p2 $0x1  }
0x17: {  	s4 =	simm.s32 $0x1BF5;
	[smem:$0x3FBA] =	sst s0  }
0x18: {  	s0 =	sld [smem:$0x3F9D];
	_ =	swait.ge [sflag:s4], $0x0  }
0x19: {  	s7 =	sld [smem:$0x3F9E]  }
0x1a: {  	s8 =	sadd.s32 $0xFFFFE003, lr  }
0x1b: {  	s9 =	sadd.s32 $0xFFFFFEF7, lr;
	s5 =	simm.s32 $0xFFFFFFFF;
	p2 =	slt.u32 s8, $0xFFFFF086  }
0x1c: {  	p1 =	slt.u32 s9, $0xF7A;
	s5 =	simm.s32 @!p2 $0x0  }
0x1d: {  	s5 =	simm.s32 @p1 $0x1;
	p0 =	seq.s32 s7, s2  }
0x1e: {  	s7 =	smul.u32 @!p0 $0xF7A, s2;
	p2 =	seq.s32 @!p0 s5, $0x0  }
0x1f: {  	s9 =	smul.u32 $0xF7A, s1;
	s8 =	simm.s32 @!p0 $0x1BF5;
	p2 =	por !p2, p0  }
0x20: {  	[sflag:s8] =	ssyncset.s32 @!p0 $0xFFFFF086;
	s6 =	sadd.s32 @!p0 s3, s7;
	s7 =	simm.s32 @!p0 $0x108  }
0x21: {  	s3 =	sadd.s32 s3, s9;
	s6 =	sadd.s32 @!p0 $0x88, s6;
	s7 =	simm.s32 @p2 $0x1082  }
0x22: {  	[simem:s7], [sflag:s8] =	dma.local @!p0 [hbm:s6], $0xF7A  }
0x23: {  	s9 =	sor.u32 $0xD0000000, s2;
	s6 =	simm.s32 $0x108;
	_ =	swait.ge @!p0 [sflag:s8], $0x0  }
0x24: {  	s3 =	sadd.s32 $0x88, s3;
	s6 =	simm.s32 @!p1 $0x1082;
	[sflag:s4] =	ssyncset.s32 $0xFFFFF086  }
0x25: {  	[simem:s6], [sflag:s4] =	dma.local [hbm:s3], $0xF7A  }
0x26: {  	[smem:$0x3F9E] =	sst s1;
	(tag) =	ssettag s2;
	_ =	strace s9  }
0x27: {  	s1 =	sld [smem:$0x3FAE]  }
0x28: {  	s2 =	sld [smem:$0x3FAF]  }
0x29: {  	s4 =	sld [smem:$0x3FB1]  }
0x2a: {  	p0 =	seq.s32 s5, $0x0;
	s5 =	sld [smem:$0x3FB2]  }
0x2b: {  	s6 =	sld [smem:$0x3FB3]  }
0x2c: {  	s7 =	sld [smem:$0x3FB4]  }
0x2d: {  	s3 =	simm.s32 $0x108;
	s8 =	sld [smem:$0x3FB5]  }
0x2e: {  	s3 =	simm.s32 @!p0 $0x1082;
	s9 =	sld [smem:$0x3FB6]  }
0x2f: {  	lr =	sadd.s32 s0, s3;
	s0 =	sld [smem:$0x3FAD]  }
0x30: {  	s3 =	sld [smem:$0x3FB0]  }
0x31: {  	[smem:$0x3FB9] =	sst s10  }
0x32: {  	s10 =	sld [smem:$0x3FB7];
	_ =	sdelay $0x3  }
0x33: {  	p0 =	seq.s32 s10, $0x1;
	s10 =	sld [smem:$0x3FB9];
	_ =	sdelay $0x3  }
0x34: {  	[smem:$0x3FB9] =	sst s10  }
0x35: {  	s10 =	sld [smem:$0x3FB8];
	_ =	sdelay $0x3  }
0x36: {  	p1 =	seq.s32 s10, $0x1;
	s10 =	sld [smem:$0x3FB9];
	_ =	sdelay $0x3  }
0x37: {  	[smem:$0x3FB9] =	sst s10  }
0x38: {  	s10 =	sld [smem:$0x3FBA]  }
0x39: {  	_ = 	snop;
	(pc) =	sbr.ind lr, $3  }
0x3a: {  	_ = 	snop  }
0x3b: {  	_ = 	snop  }
0x3c: {  	p2 =	seq.s32 s10, $0x1;
	s10 =	sld [smem:$0x3FB9]  }
0x3d: {  	_ =	shalt  }
0x3e: {  	_ =	shalt  }
0x3f: {  	_ =	shalt  }
0x40: {  	_ =	shalt  }
0x41: {  	_ =	shalt  }
0x42: {  	_ =	shalt  }
0x43: {  	_ =	shalt  }
0x44: {  	_ =	shalt  }
0x45: {  	_ =	shalt  }
0x46: {  	_ =	shalt  }
0x47: {  	_ =	shalt  }
0x48: {  	_ =	shalt  }
0x49: {  	_ =	shalt  }
0x4a: {  	_ =	shalt  }
0x4b: {  	_ =	shalt  }
0x4c: {  	_ =	shalt  }
0x4d: {  	_ =	shalt  }
0x4e: {  	_ =	shalt  }
0x4f: {  	_ =	shalt  }
0x50: {  	_ =	shalt  }
0x51: {  	_ =	shalt  }
0x52: {  	_ =	shalt  }
0x53: {  	_ =	shalt  }
0x54: {  	_ =	shalt  }
0x55: {  	_ =	shalt  }
0x56: {  	_ =	shalt  }
0x57: {  	_ =	shalt  }
0x58: {  	_ =	shalt  }
0x59: {  	_ =	shalt  }
0x5a: {  	_ =	shalt  }
0x5b: {  	_ =	shalt  }
0x5c: {  	_ =	shalt  }
0x5d: {  	_ =	shalt  }
0x5e: {  	_ =	shalt  }
0x5f: {  	_ =	shalt  }
0x60: {  	_ =	shalt  }
0x61: {  	_ =	shalt  }
0x62: {  	_ =	shalt  }
0x63: {  	_ =	shalt  }
0x64: {  	_ =	shalt  }
0x65: {  	_ =	shalt  }
0x66: {  	_ =	shalt  }
0x67: {  	_ =	shalt  }
0x68: {  	_ =	shalt  }
0x69: {  	_ =	shalt  }
0x6a: {  	_ =	shalt  }
0x6b: {  	_ =	shalt  }
0x6c: {  	_ =	shalt  }
0x6d: {  	_ =	shalt  }
0x6e: {  	_ =	shalt  }
0x6f: {  	_ =	shalt  }
0x70: {  	_ =	shalt  }
0x71: {  	_ =	shalt  }
0x72: {  	_ =	shalt  }
0x73: {  	_ =	shalt  }
0x74: {  	_ =	shalt  }
0x75: {  	_ =	shalt  }
0x76: {  	_ =	shalt  }
0x77: {  	_ =	shalt  }
0x78: {  	_ =	shalt  }
0x79: {  	_ =	shalt  }
0x7a: {  	_ =	shalt  }
0x7b: {  	_ =	shalt  }
0x7c: {  	_ =	shalt  }
0x7d: {  	_ =	shalt  }
0x7e: {  	_ =	shalt  }
0x7f: {  	_ =	shalt  }
0x80: {  	_ =	shalt  }
0x81: {  	_ =	shalt  }
0x82: {  	_ =	shalt  }
0x83: {  	_ =	shalt  }
0x84: {  	_ =	shalt  }
0x85: {  	_ =	shalt  }
0x86: {  	_ =	shalt  }
0x87: {  	_ =	shalt  }
.Lfunc_end0:
.L_simem_size_0:
called_computation_lowered:
.L_overlay_start_0:
0x88: {  	s2 =	sld [smem:$0x3FD9]  }
0x89: {  	s3 =	sld [smem:$0x3FFE];
	_ =	sdelay $0x1  }
0x8a: {  	s1 =	srdreg.scid  }
0x8b: {  	s0 =	sand.u32 $0x1, s1  }
0x8c: {  	s14 =	sshll.u32 s0, $0xA;
	s2 =	sadd.s32 s3, s2  }
0x8d: {  	s2 =	sadd.s32 s2, s14  }
0x8e: {  	[smem:$0x3FC5] =	sst s2  }
0x8f: {  	_ = 	snop  }
0x90: {  	s2 =	sld [smem:$0x3FD0];
	_ =	sdelay $0x2  }
0x91: {  	s15 =	simm.s32 $0xA;
	s4 =	simm.s32 $0x10  }
0x92: {  	[smem:s4], [sflag:s15] =	dma.local [hbm:s2], $0x1  }
0x93: {  	_ =	swait.eq [sflag:s15], $0x1  }
0x94: {  	s16 =	sld [smem:$0x10]  }
0x95: {  	s17 =	sld [smem:$0x11]  }
0x96: {  	s5 =	sld [smem:$0x12];
	[sflag:s15] =	ssyncset.done $0x0  }
0x97: {  	s6 =	sld [smem:$0x13];
	[sflag:s15] =	ssyncadd.s32 $0xFFFFFFFF  }
0x98: {  	s18 =	sld [smem:$0x14];
	(tm) =	ssettm $0x1  }
0x99: {  	s7 =	sld [smem:$0x3FFB];
	_ =	sdelay $0x3  }
0x9a: {  	_ =	strace s7  }
0x9b: {  	s7 =	sld [smem:$0x3FFC];
	_ =	sdelay $0x3  }
0x9c: {  	_ =	strace s7  }
0x9d: {  	s7 =	sld [smem:$0x3FFD];
	_ =	sdelay $0x3  }
0x9e: {  	_ =	strace s7  }
0x9f: {  	_ =	strace $0x8FFFFFFF  }
0xa0: {  	s19 =	sld [smem:$0x3FDB];
	_ =	sdelay $0x1  }
0xa1: {  	s8 =	simm.s32 $_scs_section_size  }
0xa2: {  	s9 =	simm.s32 $_size__tile_overlayer_lowered;
	s10 =	simm.s32 $_tile_overlayer_lowered  }
0xa3: {  	s22 =	simm.s32 $0x1BFF;
	s21 =	sshll.u32 s10, $0x1;
	s7 =	sadd.s32 s8, s19  }
0xa4: {  	s11 =	simm.s32 $0x0;
	s20 =	sshll.u32 s9, $0x1;
	s9 =	sadd.s32 s21, s7  }
0xa5: {  	[timem:s11], [sflag:s22] =	dma.local [hbm:s9], s20  }
0xa6: {  	_ =	swait.ge [sflag:s22], s20  }
0xa7: {  	s8 =	ssub.s32 $0x0, s20;
	[sflag:s22] =	ssyncset.done $0x0  }
0xa8: {  	[sflag:s22] =	ssyncadd.s32 s8;
	_ =	sdelay $0x1  }
0xa9: {  	s23 =	simm.s32 $0x1B8B  }
0xaa: {  	_ =	swait.ge [sflag:s23], $0x1  }
0xab: {  	[sflag:s23] =	ssyncset.done $0x0  }
0xac: {  	s25 =	simm.s32 $0x1B8E;
	s24 =	sld [smem:$0x3FFE];
	[sflag:s23] =	ssyncadd.s32 $0xFFFFFFFF  }
0xad: {  	s26 =	simm.s32 $execute0_lowered;
	[smem:$0x3FD2] =	sst s25  }
0xae: {  	s9 =	sshll.u32 s26, $0x1;
	_ =	strace $0x80000046;
	[dreg:$0x1] =	wrdreg $0xFFFFFFFF  }
0xaf: {  	s28 =	simm.s32 $_size_execute0_lowered;
	s7 =	sadd.s32 s7, s9;
	[dreg:$0x0] =	wrdreg $0x0  }
0xb0: {  	s9 =	sshll.u32 s28, $0x1;
	[dreg:$0x2] =	wrdreg s7  }
0xb1: {  	[dreg:$0x3] =	wrdreg s9  }
0xb2: {  	[dreg:$0x4] =	wrdreg $0xC0  }
0xb3: {  	_ =	task [dreg:s11], $0x5FFFF  }
0xb4: {  	[dreg:$0x1] =	wrdreg $0xFFFFFFFF  }
0xb5: {  	[dreg:$0x0] =	wrdreg $0x60  }
0xb6: {  	[dreg:$0x2] =	wrdreg s17  }
0xb7: {  	[dreg:$0x3] =	wrdreg s16  }
0xb8: {  	[dreg:$0x4] =	wrdreg s24  }
0xb9: {  	[dreg:$0x5] =	wrdreg s18  }
0xba: {  	[dreg:$0x6] =	wrdreg s6  }
0xbb: {  	[dreg:$0x7] =	wrdreg s5  }
0xbc: {  	[dreg:$0x8] =	wrdreg $0x9  }
0xbd: {  	_ =	task.clear_ibuf [dreg:s11], $0x9FFFF;
	_ =	strace $0x90000046  }
0xbe: {  	s29 =	simm.s32 $0x9;
	_ =	strace $0x80000048  }
0xbf: {  	_ =	swait.ge [sflag:s29], $0x1  }
0xc0: {  	[sflag:s29] =	ssyncadd.s32 $0xFFFFFFFF  }
0xc1: {  	_ =	strace $0x90000048  }
0xc2: {  	_ =	sfence  }
0xc3: {  	s30 =	sld [smem:$0x0];
	_ =	sdelay $0x2  }
0xc4: {  	s31 =	sshll.u32 s1, $0xD;
	s1 =	sshrl.u32 s1, $0x2  }
0xc5: {  	s3 =	sand.u32 $0x4000, s31;
	s1 =	sadd.s32 s1, s30  }
0xc6: {  	s0 =	sor.u32 s3, s0;
	s1 =	sshll.u32 s1, $0x11  }
0xc7: {  	s0 =	sor.u32 s1, s0  }
0xc8: {  	s0 =	sadd.s32 $0x8F2B, s0  }
0xc9: {  	[sflag:s0] =	ssyncadd.remote.s32 $0x1  }
0xca: {  	_ =	sfence.sel $0xFFFF  }
0xcb: {  	[dreg:$0x0] =	wrdreg $0xFFFFFFFF;
	(pc) =	sbr.abs _section_cstart, $3  }
0xcc: {  	[dreg:$0x1] =	wrdreg $0xFFFFFFFF  }
0xcd: {  	_ =	task.clear_ibuf [dreg:s11], $0x2FFFF;
	_ =	strace $0x9FFFFFFF  }
0xce: {  	(tm) =	ssettm $0x7FFFFFFF  }
0xcf: {  	_ =	shalt  }
tec
execute0_lowered:
.L_overlay_start_1:
0x0: {  	(tag) =	ssettag $0x1  }
0x1: {  	s1 =	rddreg [dreg:$0x0]  }
0x2: {  	s2 =	rddreg [dreg:$0x1]  }
0x3: {  	s10 =	rddreg [dreg:$0x2]  }
0x4: {  	s3 =	rddreg [dreg:$0x3]  }
0x5: {  	s4 =	rddreg [dreg:$0x4]  }
0x6: {  	s5 =	rddreg [dreg:$0x5]  }
0x7: {  	s0 =	rddreg [dreg:$0x6];
	s6 =	simm.s32 $0x0;
	s9 =	srdreg.scid  }
0x8: {  	s7 =	stileid.u32;
	s15 =	simm.s32 $0x10;
	s16 =	simm.s32 $0x1  }
0x9: {  	[smem:$0x7FF] =	sst s6;
	s8 =	sadd.s32 $0x2200, s10;
	s11 =	sand.u32 $0x1, s9  }
0xa: {  	s9 =	sadd.s32 $0x2000, s10;
	s13 =	sshll.u32 s7, $0x1;
	s10 =	sadd.s32 $0x1E00, s10  }
.Ltmp0:
0xb: {  	s17 =	sshrl.u32 s7, $0x1;
	_ =	strace $0x80000047;
	(pc) =	sbr.rel .LBB2_1-.Ltmp0, $4  }
0xc: {  	s12 =	ssub.s32 $0x2, s11;
	s13 =	sand.u32 $0x2, s13;
	p0 =	seq.s32 s17, $0x0  }
0xd: {  	p1 =	seq.s32 s17, $0x2;
	s14 =	sshrl.u32 s12, $0x1;
	s31 =	sor.u32 s11, s13  }
0xe: {  	p2 =	sne.s32 s17, $0x1;
	s14 =	ssub.s32 s12, s14;
	s11 =	sshll.u32 s31, $0x6  }
0xf: {  	s12 =	sshll.u32 s31, $0x1;
	s13 =	smax.u32 s14, $0x1;
	s14 =	simm.s32 $0x2  }
.LBB2_4:
0x10: {  	s19 =	smov.u32 s10;
	s17 =	smov.u32 s1;
	s18 =	smov.u32 s5  }
.LBB2_5:
0x11: {  	s19 =	sadd.s32 s19, s12  }
0x12: {  	[tilespmem:s6], [sflag:$0x2] =	stream.linear.gather [hbm4b:s19+s6], $0x10, $0x38;
	[tilespmem:$0x210] =	vst v63  }
0x13: {  	_ =	swait.ge [sflag:s14], $0x10  }
0x14: {  	[sflag:s14] =	ssyncset.done $0x0  }
0x15: {  	[sflag:s14] =	ssyncadd.s32 $0xFFFFFFF0  }
0x16: {  	[tilespmem:s15], [sflag:$0x1] =	stream.indirect.gather [hbm4b:s17+s15], $0x20, s6, s15, $0xb8;
	[tilespmem:$0x210] =	vst v63  }
0x17: {  	_ =	swait.ge [sflag:s16], $0x200  }
0x18: {  	[sflag:s16] =	ssyncset.done $0x0  }
0x19: {  	s31 =	sadd.s32 s18, s11;
	[sflag:s16] =	ssyncadd.s32 $0xFFFFFE00  }
0x1a: {  	[hbm4b:s31+s6] =	stream.linear.scatter [tilespmem:s15], [sflag:$0x2], $0x200, $0x38;
	[tilespmem:$0x210] =	vst v63  }
0x1b: {  	_ =	swait.ge [sflag:s14], $0x200  }
0x1c: {  	[sflag:s14] =	ssyncset.done $0x0  }
0x1d: {  	[sflag:s14] =	ssyncadd.s32 $0xFFFFFE00  }
.LBB2_6:
0x1e: {  	s13 =	sadd.s32 $0xFFFFFFFF, s13  }
0x1f: {  	p3 =	sne.s32 s13, $0x0  }
.Ltmp1:
0x20: {  	_ = 	snop;
	(pc) =	sbr.rel @!p3 .LBB2_7-.Ltmp1, $1  }
0x21: {  	_ =	sdelay $0x3  }
.LBB2_1:
.Ltmp2:
0x22: {  	(pc) =	sbr.rel @p0 .LBB2_5-.Ltmp2, $2  }
0x23: {  	_ =	sdelay $0x2  }
0x24: {  	s19 =	smov.u32 s8;
	s17 =	smov.u32 s1;
	s18 =	smov.u32 s3  }
.Ltmp3:
0x25: {  	(pc) =	sbr.rel @p1 .LBB2_4-.Ltmp3, $1  }
0x26: {  	_ =	sdelay $0x3  }
.Ltmp4:
0x27: {  	(pc) =	sbr.rel @p2 .LBB2_6-.Ltmp4, $4  }
.Ltmp5:
0x28: {  	(pc) =	sbr.rel @!p2 .LBB2_5-.Ltmp5, $4  }
0x29: {  	_ = 	snop  }
0x2a: {  	_ = 	snop  }
0x2b: {  	s19 =	smov.u32 s9;
	s17 =	smov.u32 s2;
	s18 =	smov.u32 s4  }
0x2c: {  	_ = 	snop  }
.LBB2_7:
0x2d: {  	_ =	sfence.sel $0x180000  }
0x2e: {  	[bflag:$0x0] =	sbarrier.arrive $0xFFFF  }
0x2f: {  	p0 =	sne.s32 s7, $0x0;
	_ =	strace $0x90000047  }
0x30: {  	s0 =	sadd.s32 @!p0 $0x100000, s0;
	[bflag:$0x2] =	sbarrier.arrive $0xFFFF  }
0x31: {  	[sflag:s0] =	ssyncadd.tile.s32 @!p0 $0x1;
	_ =	shalt  }
.Lfunc_end2:
_tile_overlayer_lowered:
.L_overlay_start_2:
0x32: {  	(tag) =	ssettag $0x2  }
0x33: {  	s0 =	rddreg [dreg:$0x0];
	s2 =	stileid.u32  }
0x34: {  	s1 =	rddreg [dreg:$0x1];
	p0 =	sne.s32 s2, $0x0  }
0x35: {  	s3 =	rddreg [dreg:$0x2];
	[bflag:$0x3] =	sbarrier.arrive $0xFFFF;
	s2 =	simm.s32 @!p0 $0x1C02  }
0x36: {  	[timem:s3], [sflag:s2] =	dma.local @!p0 [hbm:s0], s1  }
0x37: {  	s0 =	simm.s32 @!p0 $0x2  }
0x38: {  	_ =	swait.ge @!p0 [sflag:s0], s1  }
0x39: {  	s1 =	ssub.s32 @!p0 $0x0, s1;
	[sflag:s0] =	ssyncset.done @!p0 $0x0  }
0x3a: {  	[sflag:s0] =	ssyncadd.s32 @!p0 s1  }
0x3b: {  	[bflag:$0x3] =	sbarrier.arrive $0xFFFF  }
0x3c: {  	_ =	shalt  }

</sc_bundles>
